<compile_context>
chip_gen: v7x
topology: tpu7x:2x2x1
jax: 0.10.2.dev20260603
libtpu: 0.0.44.dev20260713+nightly
codegen_flags: <defaults>
</compile_context>

<pallas_src>
import functools

import jax
import jax.numpy as jnp
import numpy as np
from jax import lax
from jax.experimental import pallas as pl
from jax.experimental.pallas import tpu as pltpu
from jax.experimental.pallas import tpu_sc as plsc

R = 64
N = 8192
NC = 2
NS = 16
L = 16
NW = NC * NS
CH = N // L
U = 8
OUTER = CH // U
K = 32
BR = 8


def _threefry2x32(k0, k1, x0, x1):
    rot1 = (13, 15, 26, 6)
    rot2 = (17, 29, 16, 24)
    ks0 = np.uint32(k0)
    ks1 = np.uint32(k1)
    ks2 = np.uint32(0x1BD11BDA) ^ ks0 ^ ks1
    x0 = (x0 + ks0).astype(np.uint32)
    x1 = (x1 + ks1).astype(np.uint32)

    def rotl(v, r):
        return ((v << np.uint32(r)) | (v >> np.uint32(32 - r))).astype(np.uint32)

    for rots, a0, a1, inc in ((rot1, ks1, ks2, 1), (rot2, ks2, ks0, 2),
                              (rot1, ks0, ks1, 3), (rot2, ks1, ks2, 4),
                              (rot1, ks2, ks0, 5)):
        for r in rots:
            x0 = (x0 + x1).astype(np.uint32)
            x1 = rotl(x1, r) ^ x0
        x0 = (x0 + a0).astype(np.uint32)
        x1 = (x1 + a1 + np.uint32(inc)).astype(np.uint32)
    return x0, x1


def _random_unit_floats(k0, k1, n):
    o0, o1 = _threefry2x32(k0, k1, np.zeros(n, np.uint32),
                           np.arange(n, dtype=np.uint32))
    bits = o0 ^ o1
    fb = ((bits >> np.uint32(9)) | np.uint32(0x3F800000)).view(np.float32)
    return fb - np.float32(1.0)


def _erfinv(x):
    x = x.astype(np.float64)
    w = -np.log1p(-x * x)
    ws = w - 2.5
    wl = np.sqrt(np.maximum(w, 5.0)) - 3.0
    ps = np.full_like(x, 2.81022636e-08)
    for cc in (3.43273939e-07, -3.5233877e-06, -4.39150654e-06, 0.00021858087,
               -0.00125372503, -0.00417768164, 0.246640727, 1.50140941):
        ps = cc + ps * ws
    pb = np.full_like(x, -0.000200214257)
    for cc in (0.000100950558, 0.00134934322, -0.00367342844, 0.00573950773,
               -0.0076224613, 0.00943887047, 1.00167406, 2.83297682):
        pb = cc + pb * wl
    return np.where(w < 5.0, ps, pb) * x


def _make_constants():
    b1, b2 = _threefry2x32(0, 42, np.zeros(2, np.uint32),
                           np.arange(2, dtype=np.uint32))
    fu = _random_unit_floats(b1[0], b2[0], R * N)
    u = np.maximum(np.float32(0.1),
                   fu * np.float32(0.2) + np.float32(0.1)).reshape(R, N)
    fn = _random_unit_floats(b1[1], b2[1], R * N)
    lo = np.nextafter(np.float32(-1.0), np.float32(0.0))
    un = np.maximum(lo, fn * (np.float32(1.0) - lo) + lo)
    noise = (np.sqrt(2.0) * _erfinv(un)).astype(np.float32).reshape(R, N)
    return u, noise


_A, _B = _make_constants()
_BP = _B - _B.max(axis=-1, keepdims=True)



def _row_compute(xv, av, bv, ev, lanes):
    def p1(i, carry):
        ibc = jnp.zeros((L,), jnp.int32) + i
        out = []
        for j in range(U):
            bm, bi = carry[j]
            x16 = xv[pl.ds(i * (U * L) + j * L, L)]
            take = x16 > bm
            out.append((jnp.where(take, x16, bm), jnp.where(take, ibc, bi)))
        return tuple(out)

    init = tuple((jnp.full((L,), -jnp.inf, jnp.float32),
                  jnp.zeros((L,), jnp.int32)) for _ in range(U))
    accs = lax.fori_loop(0, OUTER, p1, init)

    merged = None
    for j in range(U):
        bm, bi = accs[j]
        g = bi * (U * L) + (lanes + j * L)
        if merged is None:
            merged = (bm, g)
        else:
            pm, pg = merged
            take = (bm > pm) | ((bm == pm) & (g < pg))
            merged = (jnp.where(take, bm, pm), jnp.where(take, g, pg))
    bm, bg = merged
    m = bm[0]
    midx = bg[0]
    for l in range(1, L):
        v = bm[l]
        gi = bg[l]
        take = (v > m) | ((v == m) & (gi < midx))
        m = jnp.where(take, v, m)
        midx = jnp.where(take, gi, midx)

    def p2(i, sacc):
        out = list(sacc)
        for j in range(U):
            off = i * (U * L) + j * L
            a16 = av[pl.ds(off, L)]
            b16 = bv[pl.ds(off, L)]
            e16 = jnp.exp(m * a16 + b16)
            ev[pl.ds(off, L)] = e16
            out[j] = out[j] + e16
        return tuple(out)

    sinit = tuple(jnp.zeros((L,), jnp.float32) for _ in range(U))
    saccs = lax.fori_loop(0, OUTER, p2, sinit)
    svec = saccs[0]
    for j in range(1, U):
        svec = svec + saccs[j]

    coff = (midx >> 4) * L
    bfix = bv[pl.ds(coff, L)]
    eold = ev[pl.ds(coff, L)]
    sel = lanes == (midx & (L - 1))
    efix = jnp.where(sel, jnp.exp(m + bfix), eold)
    ev[pl.ds(coff, L)] = efix
    svec = svec + (efix - eold)

    s = svec[0]
    for l in range(1, L):
        s = s + svec[l]
    rinv = jnp.full((L,), jnp.float32(1.0)) / (jnp.zeros((L,), jnp.float32) + s)

    def p3(i, carry):
        for j in range(U):
            off = i * (U * L) + j * L
            ev[pl.ds(off, L)] = ev[pl.ds(off, L)] * rinv
        return carry

    lax.fori_loop(0, OUTER, p3, 0)


def _sc_body(x_hbm, a_hbm, b_hbm, out_hbm, xv, av, bv, ev, sx, sab, so):
    wid = lax.axis_index("s") * NC + lax.axis_index("c")
    lanes = lax.iota(jnp.int32, L)
    rows_per_w = K // NW
    outh = []
    for rr in range(rows_per_w):
        row = wid * rows_per_w + rr
        hx = pltpu.async_copy(x_hbm.at[row], xv, sx)
        ha = pltpu.async_copy(a_hbm.at[row], av, sab)
        hb = pltpu.async_copy(b_hbm.at[row], bv, sab)
        hx.wait()
        ha.wait()
        hb.wait()
        _row_compute(xv, av, bv, ev, lanes)
        outh.append(pltpu.async_copy(ev, out_hbm.at[row], so))
    for h in outh:
        h.wait()


_sc = functools.partial(
    pl.kernel,
    out_type=jax.ShapeDtypeStruct((K, N), jnp.float32),
    mesh=plsc.VectorSubcoreMesh(core_axis_name="c", subcore_axis_name="s"),
    scratch_types=(
        [pltpu.VMEM((N,), jnp.float32) for _ in range(4)]
        + [pltpu.SemaphoreType.DMA for _ in range(3)]
    ),
)(_sc_body)



def _tc_body(x_ref, a_ref, b_ref, o_ref):
    x = x_ref[...]
    a = a_ref[...]
    b = b_ref[...]
    m = jnp.max(x, axis=-1, keepdims=True)
    col = lax.broadcasted_iota(jnp.int32, (BR, N), 1)
    midx = jnp.min(jnp.where(x == m, col, jnp.int32(2**31 - 1)),
                   axis=-1, keepdims=True)
    t = jnp.where(col == midx, m, m * a) + b
    e = jnp.exp(t)
    o_ref[...] = e / jnp.sum(e, axis=-1, keepdims=True)


_KB = K // BR

_tc = pl.pallas_call(
    _tc_body,
    out_shape=jax.ShapeDtypeStruct((R, N), jnp.float32),
    grid=((R - K) // BR,),
    in_specs=[pl.BlockSpec((BR, N), lambda i: (i + _KB, 0))] * 3,
    out_specs=pl.BlockSpec((BR, N), lambda i: (i + _KB, 0)),
)


def kernel(x):
    top = _sc(x, _A, _BP)
    full = _tc(x, _A, _BP)
    return lax.dynamic_update_slice(full, top, (0, 0))

# --- scband reference (transcript-rebuilt; emitter-appended) ---
"""Pipeline reference for scband-post-54795192762798 (READ-ONLY COPY).

The authoritative reference and input builder live on the scoring server;
editing this copy changes nothing except your own understanding.
"""

import jax, jax.numpy as jnp
import numpy as np


def setup_inputs(seed: int = 0) -> dict:
    key = jax.random.key(seed)
    x = jax.random.normal(key, (64, 8192), dtype=jnp.float32)
    return {"x": x}


def reference(x):
    # Faithful translation of the torch `post` module:
    #  1) find per-row max value m and its index midx
    #  2) every non-argmax entry is overwritten with uniform(0.1, 0.3) * m
    #     (the argmax entry keeps its original value, i.e. m)
    #  3) add unit gaussian noise
    #  4) softmax over last dim
    key = jax.random.key(42)
    k1, k2 = jax.random.split(key)
    m = jnp.max(x, axis=-1, keepdims=True)
    midx = jnp.argmax(x, axis=-1, keepdims=True)
    u = jax.random.uniform(k1, x.shape, minval=0.1, maxval=0.3, dtype=x.dtype)
    col = jnp.arange(x.shape[-1], dtype=midx.dtype)[None, :]
    is_max = col == midx
    x2 = jnp.where(is_max, x, u * m)
    noise = jax.random.normal(k2, x.shape, dtype=x.dtype)
    return jax.nn.softmax(x2 + noise, axis=-1)

if __name__ == "__main__":
    import jax
    _d = setup_inputs()
    print(jax.jit(kernel)(*tuple(_d.values())))

</pallas_src>

<mosaic_0001>
#map = affine_map<(d0, d1) -> (0, 0)>
module attributes {stable_mosaic.version = 14 : i64} {
  func.func @_sc_body(%arg0: i32, %arg1: i32, %arg2: memref<64x8192xf32, #tpu.memory_space<hbm>>, %arg3: memref<64x8192xf32, #tpu.memory_space<hbm>>, %arg4: memref<64x8192xf32, #tpu.memory_space<hbm>>, %arg5: memref<32x8192xf32, #tpu.memory_space<hbm>>, %arg6: memref<8192xf32, #tpu.memory_space<vmem>>, %arg7: memref<8192xf32, #tpu.memory_space<vmem>>, %arg8: memref<8192xf32, #tpu.memory_space<vmem>>, %arg9: memref<8192xf32, #tpu.memory_space<vmem>>, %arg10: memref<!tpu.dma_semaphore, #tpu.memory_space<semaphore_mem>>, %arg11: memref<!tpu.dma_semaphore, #tpu.memory_space<semaphore_mem>>, %arg12: memref<!tpu.dma_semaphore, #tpu.memory_space<semaphore_mem>>) attributes {dimension_semantics = [#tpu.dimension_semantics<core_parallel>, #tpu.dimension_semantics<subcore_parallel>], iteration_bounds = array<i64: 2, 16>, scalar_prefetch = 0 : i64, scratch_operands = 7 : i64, tpu.core_type = #tpu.core_type<sc_vector_subcore>, window_params = [{transform_indices = #map}, {transform_indices = #map}, {transform_indices = #map}, {transform_indices = #map}]} {
    %mul3A = arith.constant 2 : i32
    %mul3A_0 = arith.muli %arg1, %mul3A : i32
    %add3A = arith.addi %mul3A_0, %arg0 : i32
    %iota3A = tpu.iota {dimensions = array<i32: 0>} : vector<16xi32>
    %mul3A_1 = arith.constant 1 : i32
    %mul3A_2 = arith.muli %add3A, %mul3A_1 : i32
    %add3A_3 = arith.constant 0 : i32
    %add3A_4 = arith.addi %mul3A_2, %add3A_3 : i32
    %dma_start3A = arith.constant 0 : i32
    %dma_start3A_5 = tpu.memref_slice %arg2[%add3A_4, %dma_start3A] : memref<64x8192xf32, #tpu.memory_space<hbm>> -> memref<1x8192xf32, #tpu.memory_space<hbm>>
    %dma_start3A_6 = tpu.memref_squeeze %dma_start3A_5 : memref<1x8192xf32, #tpu.memory_space<hbm>> -> memref<8192xf32, #tpu.memory_space<hbm>>
    %dma_start3A_7 = arith.constant 0 : i32
    %dma_start3A_8 = tpu.memref_slice %arg2[%add3A_4, %dma_start3A_7] : memref<64x8192xf32, #tpu.memory_space<hbm>> -> memref<1x8192xf32, #tpu.memory_space<hbm>>
    %dma_start3A_9 = tpu.memref_squeeze %dma_start3A_8 : memref<1x8192xf32, #tpu.memory_space<hbm>> -> memref<8192xf32, #tpu.memory_space<hbm>>
    tpu.enqueue_dma source(%dma_start3A_9 : memref<8192xf32, #tpu.memory_space<hbm>>) target(%arg6 : memref<8192xf32, #tpu.memory_space<vmem>>) target_semaphore(%arg10 : memref<!tpu.dma_semaphore, #tpu.memory_space<semaphore_mem>>)
    %dma_start3A_10 = arith.constant 0 : i32
    %dma_start3A_11 = tpu.memref_slice %arg3[%add3A_4, %dma_start3A_10] : memref<64x8192xf32, #tpu.memory_space<hbm>> -> memref<1x8192xf32, #tpu.memory_space<hbm>>
    %dma_start3A_12 = tpu.memref_squeeze %dma_start3A_11 : memref<1x8192xf32, #tpu.memory_space<hbm>> -> memref<8192xf32, #tpu.memory_space<hbm>>
    %dma_start3A_13 = arith.constant 0 : i32
    %dma_start3A_14 = tpu.memref_slice %arg3[%add3A_4, %dma_start3A_13] : memref<64x8192xf32, #tpu.memory_space<hbm>> -> memref<1x8192xf32, #tpu.memory_space<hbm>>
    %dma_start3A_15 = tpu.memref_squeeze %dma_start3A_14 : memref<1x8192xf32, #tpu.memory_space<hbm>> -> memref<8192xf32, #tpu.memory_space<hbm>>
    tpu.enqueue_dma source(%dma_start3A_15 : memref<8192xf32, #tpu.memory_space<hbm>>) target(%arg7 : memref<8192xf32, #tpu.memory_space<vmem>>) target_semaphore(%arg11 : memref<!tpu.dma_semaphore, #tpu.memory_space<semaphore_mem>>)
    %dma_start3A_16 = arith.constant 0 : i32
    %dma_start3A_17 = tpu.memref_slice %arg4[%add3A_4, %dma_start3A_16] : memref<64x8192xf32, #tpu.memory_space<hbm>> -> memref<1x8192xf32, #tpu.memory_space<hbm>>
    %dma_start3A_18 = tpu.memref_squeeze %dma_start3A_17 : memref<1x8192xf32, #tpu.memory_space<hbm>> -> memref<8192xf32, #tpu.memory_space<hbm>>
    %dma_start3A_19 = arith.constant 0 : i32
    %dma_start3A_20 = tpu.memref_slice %arg4[%add3A_4, %dma_start3A_19] : memref<64x8192xf32, #tpu.memory_space<hbm>> -> memref<1x8192xf32, #tpu.memory_space<hbm>>
    %dma_start3A_21 = tpu.memref_squeeze %dma_start3A_20 : memref<1x8192xf32, #tpu.memory_space<hbm>> -> memref<8192xf32, #tpu.memory_space<hbm>>
    tpu.enqueue_dma source(%dma_start3A_21 : memref<8192xf32, #tpu.memory_space<hbm>>) target(%arg8 : memref<8192xf32, #tpu.memory_space<vmem>>) target_semaphore(%arg11 : memref<!tpu.dma_semaphore, #tpu.memory_space<semaphore_mem>>)
    %dma_wait3A = arith.constant 0 : i32
    %dma_wait3A_22 = tpu.memref_slice %arg2[%add3A_4, %dma_wait3A] : memref<64x8192xf32, #tpu.memory_space<hbm>> -> memref<1x8192xf32, #tpu.memory_space<hbm>>
    %dma_wait3A_23 = tpu.memref_squeeze %dma_wait3A_22 : memref<1x8192xf32, #tpu.memory_space<hbm>> -> memref<8192xf32, #tpu.memory_space<hbm>>
    %dma_wait3A_24 = arith.constant 0 : i32
    %dma_wait3A_25 = tpu.memref_slice %arg2[%add3A_4, %dma_wait3A_24] : memref<64x8192xf32, #tpu.memory_space<hbm>> -> memref<1x8192xf32, #tpu.memory_space<hbm>>
    %dma_wait3A_26 = tpu.memref_squeeze %dma_wait3A_25 : memref<1x8192xf32, #tpu.memory_space<hbm>> -> memref<8192xf32, #tpu.memory_space<hbm>>
    tpu.wait_dma2 semaphore(%arg10 : memref<!tpu.dma_semaphore, #tpu.memory_space<semaphore_mem>>) src(%dma_wait3A_26 : memref<8192xf32, #tpu.memory_space<hbm>>) dst(%arg6 : memref<8192xf32, #tpu.memory_space<vmem>>)
    %dma_wait3A_27 = arith.constant 0 : i32
    %dma_wait3A_28 = tpu.memref_slice %arg3[%add3A_4, %dma_wait3A_27] : memref<64x8192xf32, #tpu.memory_space<hbm>> -> memref<1x8192xf32, #tpu.memory_space<hbm>>
    %dma_wait3A_29 = tpu.memref_squeeze %dma_wait3A_28 : memref<1x8192xf32, #tpu.memory_space<hbm>> -> memref<8192xf32, #tpu.memory_space<hbm>>
    %dma_wait3A_30 = arith.constant 0 : i32
    %dma_wait3A_31 = tpu.memref_slice %arg3[%add3A_4, %dma_wait3A_30] : memref<64x8192xf32, #tpu.memory_space<hbm>> -> memref<1x8192xf32, #tpu.memory_space<hbm>>
    %dma_wait3A_32 = tpu.memref_squeeze %dma_wait3A_31 : memref<1x8192xf32, #tpu.memory_space<hbm>> -> memref<8192xf32, #tpu.memory_space<hbm>>
    tpu.wait_dma2 semaphore(%arg11 : memref<!tpu.dma_semaphore, #tpu.memory_space<semaphore_mem>>) src(%dma_wait3A_32 : memref<8192xf32, #tpu.memory_space<hbm>>) dst(%arg7 : memref<8192xf32, #tpu.memory_space<vmem>>)
    %dma_wait3A_33 = arith.constant 0 : i32
    %dma_wait3A_34 = tpu.memref_slice %arg4[%add3A_4, %dma_wait3A_33] : memref<64x8192xf32, #tpu.memory_space<hbm>> -> memref<1x8192xf32, #tpu.memory_space<hbm>>
    %dma_wait3A_35 = tpu.memref_squeeze %dma_wait3A_34 : memref<1x8192xf32, #tpu.memory_space<hbm>> -> memref<8192xf32, #tpu.memory_space<hbm>>
    %dma_wait3A_36 = arith.constant 0 : i32
    %dma_wait3A_37 = tpu.memref_slice %arg4[%add3A_4, %dma_wait3A_36] : memref<64x8192xf32, #tpu.memory_space<hbm>> -> memref<1x8192xf32, #tpu.memory_space<hbm>>
    %dma_wait3A_38 = tpu.memref_squeeze %dma_wait3A_37 : memref<1x8192xf32, #tpu.memory_space<hbm>> -> memref<8192xf32, #tpu.memory_space<hbm>>
    tpu.wait_dma2 semaphore(%arg11 : memref<!tpu.dma_semaphore, #tpu.memory_space<semaphore_mem>>) src(%dma_wait3A_38 : memref<8192xf32, #tpu.memory_space<hbm>>) dst(%arg8 : memref<8192xf32, #tpu.memory_space<vmem>>)
    %broadcast_in_dim3A = arith.constant 0xFF800000 : f32
    %broadcast_in_dim3A_39 = vector.broadcast %broadcast_in_dim3A : f32 to vector<16xf32>
    %broadcast_in_dim3A_40 = arith.constant 0 : i32
    %broadcast_in_dim3A_41 = vector.broadcast %broadcast_in_dim3A_40 : i32 to vector<16xi32>
    %broadcast_in_dim3A_42 = arith.constant 0xFF800000 : f32
    %broadcast_in_dim3A_43 = vector.broadcast %broadcast_in_dim3A_42 : f32 to vector<16xf32>
    %broadcast_in_dim3A_44 = arith.constant 0 : i32
    %broadcast_in_dim3A_45 = vector.broadcast %broadcast_in_dim3A_44 : i32 to vector<16xi32>
    %broadcast_in_dim3A_46 = arith.constant 0xFF800000 : f32
    %broadcast_in_dim3A_47 = vector.broadcast %broadcast_in_dim3A_46 : f32 to vector<16xf32>
    %broadcast_in_dim3A_48 = arith.constant 0 : i32
    %broadcast_in_dim3A_49 = vector.broadcast %broadcast_in_dim3A_48 : i32 to vector<16xi32>
    %broadcast_in_dim3A_50 = arith.constant 0xFF800000 : f32
    %broadcast_in_dim3A_51 = vector.broadcast %broadcast_in_dim3A_50 : f32 to vector<16xf32>
    %broadcast_in_dim3A_52 = arith.constant 0 : i32
    %broadcast_in_dim3A_53 = vector.broadcast %broadcast_in_dim3A_52 : i32 to vector<16xi32>
    %broadcast_in_dim3A_54 = arith.constant 0xFF800000 : f32
    %broadcast_in_dim3A_55 = vector.broadcast %broadcast_in_dim3A_54 : f32 to vector<16xf32>
    %broadcast_in_dim3A_56 = arith.constant 0 : i32
    %broadcast_in_dim3A_57 = vector.broadcast %broadcast_in_dim3A_56 : i32 to vector<16xi32>
    %broadcast_in_dim3A_58 = arith.constant 0xFF800000 : f32
    %broadcast_in_dim3A_59 = vector.broadcast %broadcast_in_dim3A_58 : f32 to vector<16xf32>
    %broadcast_in_dim3A_60 = arith.constant 0 : i32
    %broadcast_in_dim3A_61 = vector.broadcast %broadcast_in_dim3A_60 : i32 to vector<16xi32>
    %broadcast_in_dim3A_62 = arith.constant 0xFF800000 : f32
    %broadcast_in_dim3A_63 = vector.broadcast %broadcast_in_dim3A_62 : f32 to vector<16xf32>
    %broadcast_in_dim3A_64 = arith.constant 0 : i32
    %broadcast_in_dim3A_65 = vector.broadcast %broadcast_in_dim3A_64 : i32 to vector<16xi32>
    %broadcast_in_dim3A_66 = arith.constant 0xFF800000 : f32
    %broadcast_in_dim3A_67 = vector.broadcast %broadcast_in_dim3A_66 : f32 to vector<16xf32>
    %broadcast_in_dim3A_68 = arith.constant 0 : i32
    %broadcast_in_dim3A_69 = vector.broadcast %broadcast_in_dim3A_68 : i32 to vector<16xi32>
    %scan3A = arith.constant 0 : i32
    %scan3A_70 = arith.constant 64 : i32
    %scan3A_71 = arith.addi %scan3A, %scan3A_70 : i32
    %scan3A_72 = arith.constant 1 : i32
    %scan3A_73:16 = scf.for %scan3A_460 = %scan3A to %scan3A_71 step %scan3A_72 iter_args(%scan3A_461 = %broadcast_in_dim3A_39, %scan3A_462 = %broadcast_in_dim3A_41, %scan3A_463 = %broadcast_in_dim3A_43, %scan3A_464 = %broadcast_in_dim3A_45, %scan3A_465 = %broadcast_in_dim3A_47, %scan3A_466 = %broadcast_in_dim3A_49, %scan3A_467 = %broadcast_in_dim3A_51, %scan3A_468 = %broadcast_in_dim3A_53, %scan3A_469 = %broadcast_in_dim3A_55, %scan3A_470 = %broadcast_in_dim3A_57, %scan3A_471 = %broadcast_in_dim3A_59, %scan3A_472 = %broadcast_in_dim3A_61, %scan3A_473 = %broadcast_in_dim3A_63, %scan3A_474 = %broadcast_in_dim3A_65, %scan3A_475 = %broadcast_in_dim3A_67, %scan3A_476 = %broadcast_in_dim3A_69) -> (vector<16xf32>, vector<16xi32>, vector<16xf32>, vector<16xi32>, vector<16xf32>, vector<16xi32>, vector<16xf32>, vector<16xi32>, vector<16xf32>, vector<16xi32>, vector<16xf32>, vector<16xi32>, vector<16xf32>, vector<16xi32>, vector<16xf32>, vector<16xi32>)  : i32 {
      %broadcast_in_dim3A_477 = arith.constant 0 : i32
      %broadcast_in_dim3A_478 = vector.broadcast %broadcast_in_dim3A_477 : i32 to vector<16xi32>
      %add3A_479 = vector.broadcast %scan3A_460 : i32 to vector<16xi32>
      %add3A_480 = arith.addi %broadcast_in_dim3A_478, %add3A_479 : vector<16xi32>
      %mul3A_481 = arith.constant 128 : i32
      %mul3A_482 = arith.muli %scan3A_460, %mul3A_481 : i32
      %add3A_483 = arith.constant 0 : i32
      %add3A_484 = arith.addi %mul3A_482, %add3A_483 : i32
      %get3A_485 = arith.index_cast %add3A_484 : i32 to index
      %get3A_486 = tpu.vector_load %arg6[%get3A_485] {strides = array<i32>} : memref<8192xf32, #tpu.memory_space<vmem>>, vector<16xf32>,
      %get3A_487 = vector.shape_cast %get3A_486 : vector<16xf32> to vector<16xf32>
      %gt3A_488 = arith.cmpf ogt, %get3A_487, %scan3A_461 : vector<16xf32>
      %select_n3A_489 = arith.select %gt3A_488, %get3A_487, %scan3A_461 : vector<16xi1>, vector<16xf32>
      %select_n3A_490 = arith.select %gt3A_488, %add3A_480, %scan3A_462 : vector<16xi1>, vector<16xi32>
      %mul3A_491 = arith.constant 128 : i32
      %mul3A_492 = arith.muli %scan3A_460, %mul3A_491 : i32
      %add3A_493 = arith.constant 16 : i32
      %add3A_494 = arith.addi %mul3A_492, %add3A_493 : i32
      %get3A_495 = arith.index_cast %add3A_494 : i32 to index
      %get3A_496 = tpu.vector_load %arg6[%get3A_495] {strides = array<i32>} : memref<8192xf32, #tpu.memory_space<vmem>>, vector<16xf32>,
      %get3A_497 = vector.shape_cast %get3A_496 : vector<16xf32> to vector<16xf32>
      %gt3A_498 = arith.cmpf ogt, %get3A_497, %scan3A_463 : vector<16xf32>
      %select_n3A_499 = arith.select %gt3A_498, %get3A_497, %scan3A_463 : vector<16xi1>, vector<16xf32>
      %select_n3A_500 = arith.select %gt3A_498, %add3A_480, %scan3A_464 : vector<16xi1>, vector<16xi32>
      %mul3A_501 = arith.constant 128 : i32
      %mul3A_502 = arith.muli %scan3A_460, %mul3A_501 : i32
      %add3A_503 = arith.constant 32 : i32
      %add3A_504 = arith.addi %mul3A_502, %add3A_503 : i32
      %get3A_505 = arith.index_cast %add3A_504 : i32 to index
      %get3A_506 = tpu.vector_load %arg6[%get3A_505] {strides = array<i32>} : memref<8192xf32, #tpu.memory_space<vmem>>, vector<16xf32>,
      %get3A_507 = vector.shape_cast %get3A_506 : vector<16xf32> to vector<16xf32>
      %gt3A_508 = arith.cmpf ogt, %get3A_507, %scan3A_465 : vector<16xf32>
      %select_n3A_509 = arith.select %gt3A_508, %get3A_507, %scan3A_465 : vector<16xi1>, vector<16xf32>
      %select_n3A_510 = arith.select %gt3A_508, %add3A_480, %scan3A_466 : vector<16xi1>, vector<16xi32>
      %mul3A_511 = arith.constant 128 : i32
      %mul3A_512 = arith.muli %scan3A_460, %mul3A_511 : i32
      %add3A_513 = arith.constant 48 : i32
      %add3A_514 = arith.addi %mul3A_512, %add3A_513 : i32
      %get3A_515 = arith.index_cast %add3A_514 : i32 to index
      %get3A_516 = tpu.vector_load %arg6[%get3A_515] {strides = array<i32>} : memref<8192xf32, #tpu.memory_space<vmem>>, vector<16xf32>,
      %get3A_517 = vector.shape_cast %get3A_516 : vector<16xf32> to vector<16xf32>
      %gt3A_518 = arith.cmpf ogt, %get3A_517, %scan3A_467 : vector<16xf32>
      %select_n3A_519 = arith.select %gt3A_518, %get3A_517, %scan3A_467 : vector<16xi1>, vector<16xf32>
      %select_n3A_520 = arith.select %gt3A_518, %add3A_480, %scan3A_468 : vector<16xi1>, vector<16xi32>
      %mul3A_521 = arith.constant 128 : i32
      %mul3A_522 = arith.muli %scan3A_460, %mul3A_521 : i32
      %add3A_523 = arith.constant 64 : i32
      %add3A_524 = arith.addi %mul3A_522, %add3A_523 : i32
      %get3A_525 = arith.index_cast %add3A_524 : i32 to index
      %get3A_526 = tpu.vector_load %arg6[%get3A_525] {strides = array<i32>} : memref<8192xf32, #tpu.memory_space<vmem>>, vector<16xf32>,
      %get3A_527 = vector.shape_cast %get3A_526 : vector<16xf32> to vector<16xf32>
      %gt3A_528 = arith.cmpf ogt, %get3A_527, %scan3A_469 : vector<16xf32>
      %select_n3A_529 = arith.select %gt3A_528, %get3A_527, %scan3A_469 : vector<16xi1>, vector<16xf32>
      %select_n3A_530 = arith.select %gt3A_528, %add3A_480, %scan3A_470 : vector<16xi1>, vector<16xi32>
      %mul3A_531 = arith.constant 128 : i32
      %mul3A_532 = arith.muli %scan3A_460, %mul3A_531 : i32
      %add3A_533 = arith.constant 80 : i32
      %add3A_534 = arith.addi %mul3A_532, %add3A_533 : i32
      %get3A_535 = arith.index_cast %add3A_534 : i32 to index
      %get3A_536 = tpu.vector_load %arg6[%get3A_535] {strides = array<i32>} : memref<8192xf32, #tpu.memory_space<vmem>>, vector<16xf32>,
      %get3A_537 = vector.shape_cast %get3A_536 : vector<16xf32> to vector<16xf32>
      %gt3A_538 = arith.cmpf ogt, %get3A_537, %scan3A_471 : vector<16xf32>
      %select_n3A_539 = arith.select %gt3A_538, %get3A_537, %scan3A_471 : vector<16xi1>, vector<16xf32>
      %select_n3A_540 = arith.select %gt3A_538, %add3A_480, %scan3A_472 : vector<16xi1>, vector<16xi32>
      %mul3A_541 = arith.constant 128 : i32
      %mul3A_542 = arith.muli %scan3A_460, %mul3A_541 : i32
      %add3A_543 = arith.constant 96 : i32
      %add3A_544 = arith.addi %mul3A_542, %add3A_543 : i32
      %get3A_545 = arith.index_cast %add3A_544 : i32 to index
      %get3A_546 = tpu.vector_load %arg6[%get3A_545] {strides = array<i32>} : memref<8192xf32, #tpu.memory_space<vmem>>, vector<16xf32>,
      %get3A_547 = vector.shape_cast %get3A_546 : vector<16xf32> to vector<16xf32>
      %gt3A_548 = arith.cmpf ogt, %get3A_547, %scan3A_473 : vector<16xf32>
      %select_n3A_549 = arith.select %gt3A_548, %get3A_547, %scan3A_473 : vector<16xi1>, vector<16xf32>
      %select_n3A_550 = arith.select %gt3A_548, %add3A_480, %scan3A_474 : vector<16xi1>, vector<16xi32>
      %mul3A_551 = arith.constant 128 : i32
      %mul3A_552 = arith.muli %scan3A_460, %mul3A_551 : i32
      %add3A_553 = arith.constant 112 : i32
      %add3A_554 = arith.addi %mul3A_552, %add3A_553 : i32
      %get3A_555 = arith.index_cast %add3A_554 : i32 to index
      %get3A_556 = tpu.vector_load %arg6[%get3A_555] {strides = array<i32>} : memref<8192xf32, #tpu.memory_space<vmem>>, vector<16xf32>,
      %get3A_557 = vector.shape_cast %get3A_556 : vector<16xf32> to vector<16xf32>
      %gt3A_558 = arith.cmpf ogt, %get3A_557, %scan3A_475 : vector<16xf32>
      %select_n3A_559 = arith.select %gt3A_558, %get3A_557, %scan3A_475 : vector<16xi1>, vector<16xf32>
      %select_n3A_560 = arith.select %gt3A_558, %add3A_480, %scan3A_476 : vector<16xi1>, vector<16xi32>
      scf.yield %select_n3A_489, %select_n3A_490, %select_n3A_499, %select_n3A_500, %select_n3A_509, %select_n3A_510, %select_n3A_519, %select_n3A_520, %select_n3A_529, %select_n3A_530, %select_n3A_539, %select_n3A_540, %select_n3A_549, %select_n3A_550, %select_n3A_559, %select_n3A_560 : vector<16xf32>, vector<16xi32>, vector<16xf32>, vector<16xi32>, vector<16xf32>, vector<16xi32>, vector<16xf32>, vector<16xi32>, vector<16xf32>, vector<16xi32>, vector<16xf32>, vector<16xi32>, vector<16xf32>, vector<16xi32>, vector<16xf32>, vector<16xi32>
    }
    %scan3A_74 = arith.constant 64 : i32
    %mul3A_75 = arith.constant 128 : i32
    %mul3A_76 = vector.broadcast %mul3A_75 : i32 to vector<16xi32>
    %mul3A_77 = arith.muli %scan3A_73#1, %mul3A_76 : vector<16xi32>
    %add3A_78 = arith.constant 0 : i32
    %add3A_79 = vector.broadcast %add3A_78 : i32 to vector<16xi32>
    %add3A_80 = arith.addi %iota3A, %add3A_79 : vector<16xi32>
    %add3A_81 = arith.addi %mul3A_77, %add3A_80 : vector<16xi32>
    %mul3A_82 = arith.constant 128 : i32
    %mul3A_83 = vector.broadcast %mul3A_82 : i32 to vector<16xi32>
    %mul3A_84 = arith.muli %scan3A_73#3, %mul3A_83 : vector<16xi32>
    %add3A_85 = arith.constant 16 : i32
    %add3A_86 = vector.broadcast %add3A_85 : i32 to vector<16xi32>
    %add3A_87 = arith.addi %iota3A, %add3A_86 : vector<16xi32>
    %add3A_88 = arith.addi %mul3A_84, %add3A_87 : vector<16xi32>
    %gt3A = arith.cmpf ogt, %scan3A_73#2, %scan3A_73#0 : vector<16xf32>
    %eq3A = arith.cmpf oeq, %scan3A_73#2, %scan3A_73#0 : vector<16xf32>
    %lt3A = arith.cmpi slt, %add3A_88, %add3A_81 : vector<16xi32>
    %and3A = arith.andi %eq3A, %lt3A : vector<16xi1>
    %or3A = arith.ori %gt3A, %and3A : vector<16xi1>
    %select_n3A = arith.select %or3A, %scan3A_73#2, %scan3A_73#0 : vector<16xi1>, vector<16xf32>
    %select_n3A_89 = arith.select %or3A, %add3A_88, %add3A_81 : vector<16xi1>, vector<16xi32>
    %mul3A_90 = arith.constant 128 : i32
    %mul3A_91 = vector.broadcast %mul3A_90 : i32 to vector<16xi32>
    %mul3A_92 = arith.muli %scan3A_73#5, %mul3A_91 : vector<16xi32>
    %add3A_93 = arith.constant 32 : i32
    %add3A_94 = vector.broadcast %add3A_93 : i32 to vector<16xi32>
    %add3A_95 = arith.addi %iota3A, %add3A_94 : vector<16xi32>
    %add3A_96 = arith.addi %mul3A_92, %add3A_95 : vector<16xi32>
    %gt3A_97 = arith.cmpf ogt, %scan3A_73#4, %select_n3A : vector<16xf32>
    %eq3A_98 = arith.cmpf oeq, %scan3A_73#4, %select_n3A : vector<16xf32>
    %lt3A_99 = arith.cmpi slt, %add3A_96, %select_n3A_89 : vector<16xi32>
    %and3A_100 = arith.andi %eq3A_98, %lt3A_99 : vector<16xi1>
    %or3A_101 = arith.ori %gt3A_97, %and3A_100 : vector<16xi1>
    %select_n3A_102 = arith.select %or3A_101, %scan3A_73#4, %select_n3A : vector<16xi1>, vector<16xf32>
    %select_n3A_103 = arith.select %or3A_101, %add3A_96, %select_n3A_89 : vector<16xi1>, vector<16xi32>
    %mul3A_104 = arith.constant 128 : i32
    %mul3A_105 = vector.broadcast %mul3A_104 : i32 to vector<16xi32>
    %mul3A_106 = arith.muli %scan3A_73#7, %mul3A_105 : vector<16xi32>
    %add3A_107 = arith.constant 48 : i32
    %add3A_108 = vector.broadcast %add3A_107 : i32 to vector<16xi32>
    %add3A_109 = arith.addi %iota3A, %add3A_108 : vector<16xi32>
    %add3A_110 = arith.addi %mul3A_106, %add3A_109 : vector<16xi32>
    %gt3A_111 = arith.cmpf ogt, %scan3A_73#6, %select_n3A_102 : vector<16xf32>
    %eq3A_112 = arith.cmpf oeq, %scan3A_73#6, %select_n3A_102 : vector<16xf32>
    %lt3A_113 = arith.cmpi slt, %add3A_110, %select_n3A_103 : vector<16xi32>
    %and3A_114 = arith.andi %eq3A_112, %lt3A_113 : vector<16xi1>
    %or3A_115 = arith.ori %gt3A_111, %and3A_114 : vector<16xi1>
    %select_n3A_116 = arith.select %or3A_115, %scan3A_73#6, %select_n3A_102 : vector<16xi1>, vector<16xf32>
    %select_n3A_117 = arith.select %or3A_115, %add3A_110, %select_n3A_103 : vector<16xi1>, vector<16xi32>
    %mul3A_118 = arith.constant 128 : i32
    %mul3A_119 = vector.broadcast %mul3A_118 : i32 to vector<16xi32>
    %mul3A_120 = arith.muli %scan3A_73#9, %mul3A_119 : vector<16xi32>
    %add3A_121 = arith.constant 64 : i32
    %add3A_122 = vector.broadcast %add3A_121 : i32 to vector<16xi32>
    %add3A_123 = arith.addi %iota3A, %add3A_122 : vector<16xi32>
    %add3A_124 = arith.addi %mul3A_120, %add3A_123 : vector<16xi32>
    %gt3A_125 = arith.cmpf ogt, %scan3A_73#8, %select_n3A_116 : vector<16xf32>
    %eq3A_126 = arith.cmpf oeq, %scan3A_73#8, %select_n3A_116 : vector<16xf32>
    %lt3A_127 = arith.cmpi slt, %add3A_124, %select_n3A_117 : vector<16xi32>
    %and3A_128 = arith.andi %eq3A_126, %lt3A_127 : vector<16xi1>
    %or3A_129 = arith.ori %gt3A_125, %and3A_128 : vector<16xi1>
    %select_n3A_130 = arith.select %or3A_129, %scan3A_73#8, %select_n3A_116 : vector<16xi1>, vector<16xf32>
    %select_n3A_131 = arith.select %or3A_129, %add3A_124, %select_n3A_117 : vector<16xi1>, vector<16xi32>
    %mul3A_132 = arith.constant 128 : i32
    %mul3A_133 = vector.broadcast %mul3A_132 : i32 to vector<16xi32>
    %mul3A_134 = arith.muli %scan3A_73#11, %mul3A_133 : vector<16xi32>
    %add3A_135 = arith.constant 80 : i32
    %add3A_136 = vector.broadcast %add3A_135 : i32 to vector<16xi32>
    %add3A_137 = arith.addi %iota3A, %add3A_136 : vector<16xi32>
    %add3A_138 = arith.addi %mul3A_134, %add3A_137 : vector<16xi32>
    %gt3A_139 = arith.cmpf ogt, %scan3A_73#10, %select_n3A_130 : vector<16xf32>
    %eq3A_140 = arith.cmpf oeq, %scan3A_73#10, %select_n3A_130 : vector<16xf32>
    %lt3A_141 = arith.cmpi slt, %add3A_138, %select_n3A_131 : vector<16xi32>
    %and3A_142 = arith.andi %eq3A_140, %lt3A_141 : vector<16xi1>
    %or3A_143 = arith.ori %gt3A_139, %and3A_142 : vector<16xi1>
    %select_n3A_144 = arith.select %or3A_143, %scan3A_73#10, %select_n3A_130 : vector<16xi1>, vector<16xf32>
    %select_n3A_145 = arith.select %or3A_143, %add3A_138, %select_n3A_131 : vector<16xi1>, vector<16xi32>
    %mul3A_146 = arith.constant 128 : i32
    %mul3A_147 = vector.broadcast %mul3A_146 : i32 to vector<16xi32>
    %mul3A_148 = arith.muli %scan3A_73#13, %mul3A_147 : vector<16xi32>
    %add3A_149 = arith.constant 96 : i32
    %add3A_150 = vector.broadcast %add3A_149 : i32 to vector<16xi32>
    %add3A_151 = arith.addi %iota3A, %add3A_150 : vector<16xi32>
    %add3A_152 = arith.addi %mul3A_148, %add3A_151 : vector<16xi32>
    %gt3A_153 = arith.cmpf ogt, %scan3A_73#12, %select_n3A_144 : vector<16xf32>
    %eq3A_154 = arith.cmpf oeq, %scan3A_73#12, %select_n3A_144 : vector<16xf32>
    %lt3A_155 = arith.cmpi slt, %add3A_152, %select_n3A_145 : vector<16xi32>
    %and3A_156 = arith.andi %eq3A_154, %lt3A_155 : vector<16xi1>
    %or3A_157 = arith.ori %gt3A_153, %and3A_156 : vector<16xi1>
    %select_n3A_158 = arith.select %or3A_157, %scan3A_73#12, %select_n3A_144 : vector<16xi1>, vector<16xf32>
    %select_n3A_159 = arith.select %or3A_157, %add3A_152, %select_n3A_145 : vector<16xi1>, vector<16xi32>
    %mul3A_160 = arith.constant 128 : i32
    %mul3A_161 = vector.broadcast %mul3A_160 : i32 to vector<16xi32>
    %mul3A_162 = arith.muli %scan3A_73#15, %mul3A_161 : vector<16xi32>
    %add3A_163 = arith.constant 112 : i32
    %add3A_164 = vector.broadcast %add3A_163 : i32 to vector<16xi32>
    %add3A_165 = arith.addi %iota3A, %add3A_164 : vector<16xi32>
    %add3A_166 = arith.addi %mul3A_162, %add3A_165 : vector<16xi32>
    %gt3A_167 = arith.cmpf ogt, %scan3A_73#14, %select_n3A_158 : vector<16xf32>
    %eq3A_168 = arith.cmpf oeq, %scan3A_73#14, %select_n3A_158 : vector<16xf32>
    %lt3A_169 = arith.cmpi slt, %add3A_166, %select_n3A_159 : vector<16xi32>
    %and3A_170 = arith.andi %eq3A_168, %lt3A_169 : vector<16xi1>
    %or3A_171 = arith.ori %gt3A_167, %and3A_170 : vector<16xi1>
    %select_n3A_172 = arith.select %or3A_171, %scan3A_73#14, %select_n3A_158 : vector<16xi1>, vector<16xf32>
    %select_n3A_173 = arith.select %or3A_171, %add3A_166, %select_n3A_159 : vector<16xi1>, vector<16xi32>
    %slice3A = vector.extract_strided_slice %select_n3A_172 {offsets = [0], sizes = [1], strides = [1]} : vector<16xf32> to vector<1xf32>
    %squeeze3A = vector.extract %slice3A[0] : f32 from vector<1xf32>
    %slice3A_174 = vector.extract_strided_slice %select_n3A_173 {offsets = [0], sizes = [1], strides = [1]} : vector<16xi32> to vector<1xi32>
    %squeeze3A_175 = vector.extract %slice3A_174[0] : i32 from vector<1xi32>
    %slice3A_176 = vector.extract_strided_slice %select_n3A_172 {offsets = [1], sizes = [1], strides = [1]} : vector<16xf32> to vector<1xf32>
    %squeeze3A_177 = vector.extract %slice3A_176[0] : f32 from vector<1xf32>
    %slice3A_178 = vector.extract_strided_slice %select_n3A_173 {offsets = [1], sizes = [1], strides = [1]} : vector<16xi32> to vector<1xi32>
    %squeeze3A_179 = vector.extract %slice3A_178[0] : i32 from vector<1xi32>
    %gt3A_180 = arith.cmpf ogt, %squeeze3A_177, %squeeze3A : f32
    %eq3A_181 = arith.cmpf oeq, %squeeze3A_177, %squeeze3A : f32
    %lt3A_182 = arith.cmpi slt, %squeeze3A_179, %squeeze3A_175 : i32
    %and3A_183 = arith.andi %eq3A_181, %lt3A_182 : i1
    %or3A_184 = arith.ori %gt3A_180, %and3A_183 : i1
    %select_n3A_185 = arith.select %or3A_184, %squeeze3A_177, %squeeze3A : f32
    %select_n3A_186 = arith.select %or3A_184, %squeeze3A_179, %squeeze3A_175 : i32
    %slice3A_187 = vector.extract_strided_slice %select_n3A_172 {offsets = [2], sizes = [1], strides = [1]} : vector<16xf32> to vector<1xf32>
    %squeeze3A_188 = vector.extract %slice3A_187[0] : f32 from vector<1xf32>
    %slice3A_189 = vector.extract_strided_slice %select_n3A_173 {offsets = [2], sizes = [1], strides = [1]} : vector<16xi32> to vector<1xi32>
    %squeeze3A_190 = vector.extract %slice3A_189[0] : i32 from vector<1xi32>
    %gt3A_191 = arith.cmpf ogt, %squeeze3A_188, %select_n3A_185 : f32
    %eq3A_192 = arith.cmpf oeq, %squeeze3A_188, %select_n3A_185 : f32
    %lt3A_193 = arith.cmpi slt, %squeeze3A_190, %select_n3A_186 : i32
    %and3A_194 = arith.andi %eq3A_192, %lt3A_193 : i1
    %or3A_195 = arith.ori %gt3A_191, %and3A_194 : i1
    %select_n3A_196 = arith.select %or3A_195, %squeeze3A_188, %select_n3A_185 : f32
    %select_n3A_197 = arith.select %or3A_195, %squeeze3A_190, %select_n3A_186 : i32
    %slice3A_198 = vector.extract_strided_slice %select_n3A_172 {offsets = [3], sizes = [1], strides = [1]} : vector<16xf32> to vector<1xf32>
    %squeeze3A_199 = vector.extract %slice3A_198[0] : f32 from vector<1xf32>
    %slice3A_200 = vector.extract_strided_slice %select_n3A_173 {offsets = [3], sizes = [1], strides = [1]} : vector<16xi32> to vector<1xi32>
    %squeeze3A_201 = vector.extract %slice3A_200[0] : i32 from vector<1xi32>
    %gt3A_202 = arith.cmpf ogt, %squeeze3A_199, %select_n3A_196 : f32
    %eq3A_203 = arith.cmpf oeq, %squeeze3A_199, %select_n3A_196 : f32
    %lt3A_204 = arith.cmpi slt, %squeeze3A_201, %select_n3A_197 : i32
    %and3A_205 = arith.andi %eq3A_203, %lt3A_204 : i1
    %or3A_206 = arith.ori %gt3A_202, %and3A_205 : i1
    %select_n3A_207 = arith.select %or3A_206, %squeeze3A_199, %select_n3A_196 : f32
    %select_n3A_208 = arith.select %or3A_206, %squeeze3A_201, %select_n3A_197 : i32
    %slice3A_209 = vector.extract_strided_slice %select_n3A_172 {offsets = [4], sizes = [1], strides = [1]} : vector<16xf32> to vector<1xf32>
    %squeeze3A_210 = vector.extract %slice3A_209[0] : f32 from vector<1xf32>
    %slice3A_211 = vector.extract_strided_slice %select_n3A_173 {offsets = [4], sizes = [1], strides = [1]} : vector<16xi32> to vector<1xi32>
    %squeeze3A_212 = vector.extract %slice3A_211[0] : i32 from vector<1xi32>
    %gt3A_213 = arith.cmpf ogt, %squeeze3A_210, %select_n3A_207 : f32
    %eq3A_214 = arith.cmpf oeq, %squeeze3A_210, %select_n3A_207 : f32
    %lt3A_215 = arith.cmpi slt, %squeeze3A_212, %select_n3A_208 : i32
    %and3A_216 = arith.andi %eq3A_214, %lt3A_215 : i1
    %or3A_217 = arith.ori %gt3A_213, %and3A_216 : i1
    %select_n3A_218 = arith.select %or3A_217, %squeeze3A_210, %select_n3A_207 : f32
    %select_n3A_219 = arith.select %or3A_217, %squeeze3A_212, %select_n3A_208 : i32
    %slice3A_220 = vector.extract_strided_slice %select_n3A_172 {offsets = [5], sizes = [1], strides = [1]} : vector<16xf32> to vector<1xf32>
    %squeeze3A_221 = vector.extract %slice3A_220[0] : f32 from vector<1xf32>
    %slice3A_222 = vector.extract_strided_slice %select_n3A_173 {offsets = [5], sizes = [1], strides = [1]} : vector<16xi32> to vector<1xi32>
    %squeeze3A_223 = vector.extract %slice3A_222[0] : i32 from vector<1xi32>
    %gt3A_224 = arith.cmpf ogt, %squeeze3A_221, %select_n3A_218 : f32
    %eq3A_225 = arith.cmpf oeq, %squeeze3A_221, %select_n3A_218 : f32
    %lt3A_226 = arith.cmpi slt, %squeeze3A_223, %select_n3A_219 : i32
    %and3A_227 = arith.andi %eq3A_225, %lt3A_226 : i1
    %or3A_228 = arith.ori %gt3A_224, %and3A_227 : i1
    %select_n3A_229 = arith.select %or3A_228, %squeeze3A_221, %select_n3A_218 : f32
    %select_n3A_230 = arith.select %or3A_228, %squeeze3A_223, %select_n3A_219 : i32
    %slice3A_231 = vector.extract_strided_slice %select_n3A_172 {offsets = [6], sizes = [1], strides = [1]} : vector<16xf32> to vector<1xf32>
    %squeeze3A_232 = vector.extract %slice3A_231[0] : f32 from vector<1xf32>
    %slice3A_233 = vector.extract_strided_slice %select_n3A_173 {offsets = [6], sizes = [1], strides = [1]} : vector<16xi32> to vector<1xi32>
    %squeeze3A_234 = vector.extract %slice3A_233[0] : i32 from vector<1xi32>
    %gt3A_235 = arith.cmpf ogt, %squeeze3A_232, %select_n3A_229 : f32
    %eq3A_236 = arith.cmpf oeq, %squeeze3A_232, %select_n3A_229 : f32
    %lt3A_237 = arith.cmpi slt, %squeeze3A_234, %select_n3A_230 : i32
    %and3A_238 = arith.andi %eq3A_236, %lt3A_237 : i1
    %or3A_239 = arith.ori %gt3A_235, %and3A_238 : i1
    %select_n3A_240 = arith.select %or3A_239, %squeeze3A_232, %select_n3A_229 : f32
    %select_n3A_241 = arith.select %or3A_239, %squeeze3A_234, %select_n3A_230 : i32
    %slice3A_242 = vector.extract_strided_slice %select_n3A_172 {offsets = [7], sizes = [1], strides = [1]} : vector<16xf32> to vector<1xf32>
    %squeeze3A_243 = vector.extract %slice3A_242[0] : f32 from vector<1xf32>
    %slice3A_244 = vector.extract_strided_slice %select_n3A_173 {offsets = [7], sizes = [1], strides = [1]} : vector<16xi32> to vector<1xi32>
    %squeeze3A_245 = vector.extract %slice3A_244[0] : i32 from vector<1xi32>
    %gt3A_246 = arith.cmpf ogt, %squeeze3A_243, %select_n3A_240 : f32
    %eq3A_247 = arith.cmpf oeq, %squeeze3A_243, %select_n3A_240 : f32
    %lt3A_248 = arith.cmpi slt, %squeeze3A_245, %select_n3A_241 : i32
    %and3A_249 = arith.andi %eq3A_247, %lt3A_248 : i1
    %or3A_250 = arith.ori %gt3A_246, %and3A_249 : i1
    %select_n3A_251 = arith.select %or3A_250, %squeeze3A_243, %select_n3A_240 : f32
    %select_n3A_252 = arith.select %or3A_250, %squeeze3A_245, %select_n3A_241 : i32
    %slice3A_253 = vector.extract_strided_slice %select_n3A_172 {offsets = [8], sizes = [1], strides = [1]} : vector<16xf32> to vector<1xf32>
    %squeeze3A_254 = vector.extract %slice3A_253[0] : f32 from vector<1xf32>
    %slice3A_255 = vector.extract_strided_slice %select_n3A_173 {offsets = [8], sizes = [1], strides = [1]} : vector<16xi32> to vector<1xi32>
    %squeeze3A_256 = vector.extract %slice3A_255[0] : i32 from vector<1xi32>
    %gt3A_257 = arith.cmpf ogt, %squeeze3A_254, %select_n3A_251 : f32
    %eq3A_258 = arith.cmpf oeq, %squeeze3A_254, %select_n3A_251 : f32
    %lt3A_259 = arith.cmpi slt, %squeeze3A_256, %select_n3A_252 : i32
    %and3A_260 = arith.andi %eq3A_258, %lt3A_259 : i1
    %or3A_261 = arith.ori %gt3A_257, %and3A_260 : i1
    %select_n3A_262 = arith.select %or3A_261, %squeeze3A_254, %select_n3A_251 : f32
    %select_n3A_263 = arith.select %or3A_261, %squeeze3A_256, %select_n3A_252 : i32
    %slice3A_264 = vector.extract_strided_slice %select_n3A_172 {offsets = [9], sizes = [1], strides = [1]} : vector<16xf32> to vector<1xf32>
    %squeeze3A_265 = vector.extract %slice3A_264[0] : f32 from vector<1xf32>
    %slice3A_266 = vector.extract_strided_slice %select_n3A_173 {offsets = [9], sizes = [1], strides = [1]} : vector<16xi32> to vector<1xi32>
    %squeeze3A_267 = vector.extract %slice3A_266[0] : i32 from vector<1xi32>
    %gt3A_268 = arith.cmpf ogt, %squeeze3A_265, %select_n3A_262 : f32
    %eq3A_269 = arith.cmpf oeq, %squeeze3A_265, %select_n3A_262 : f32
    %lt3A_270 = arith.cmpi slt, %squeeze3A_267, %select_n3A_263 : i32
    %and3A_271 = arith.andi %eq3A_269, %lt3A_270 : i1
    %or3A_272 = arith.ori %gt3A_268, %and3A_271 : i1
    %select_n3A_273 = arith.select %or3A_272, %squeeze3A_265, %select_n3A_262 : f32
    %select_n3A_274 = arith.select %or3A_272, %squeeze3A_267, %select_n3A_263 : i32
    %slice3A_275 = vector.extract_strided_slice %select_n3A_172 {offsets = [10], sizes = [1], strides = [1]} : vector<16xf32> to vector<1xf32>
    %squeeze3A_276 = vector.extract %slice3A_275[0] : f32 from vector<1xf32>
    %slice3A_277 = vector.extract_strided_slice %select_n3A_173 {offsets = [10], sizes = [1], strides = [1]} : vector<16xi32> to vector<1xi32>
    %squeeze3A_278 = vector.extract %slice3A_277[0] : i32 from vector<1xi32>
    %gt3A_279 = arith.cmpf ogt, %squeeze3A_276, %select_n3A_273 : f32
    %eq3A_280 = arith.cmpf oeq, %squeeze3A_276, %select_n3A_273 : f32
    %lt3A_281 = arith.cmpi slt, %squeeze3A_278, %select_n3A_274 : i32
    %and3A_282 = arith.andi %eq3A_280, %lt3A_281 : i1
    %or3A_283 = arith.ori %gt3A_279, %and3A_282 : i1
    %select_n3A_284 = arith.select %or3A_283, %squeeze3A_276, %select_n3A_273 : f32
    %select_n3A_285 = arith.select %or3A_283, %squeeze3A_278, %select_n3A_274 : i32
    %slice3A_286 = vector.extract_strided_slice %select_n3A_172 {offsets = [11], sizes = [1], strides = [1]} : vector<16xf32> to vector<1xf32>
    %squeeze3A_287 = vector.extract %slice3A_286[0] : f32 from vector<1xf32>
    %slice3A_288 = vector.extract_strided_slice %select_n3A_173 {offsets = [11], sizes = [1], strides = [1]} : vector<16xi32> to vector<1xi32>
    %squeeze3A_289 = vector.extract %slice3A_288[0] : i32 from vector<1xi32>
    %gt3A_290 = arith.cmpf ogt, %squeeze3A_287, %select_n3A_284 : f32
    %eq3A_291 = arith.cmpf oeq, %squeeze3A_287, %select_n3A_284 : f32
    %lt3A_292 = arith.cmpi slt, %squeeze3A_289, %select_n3A_285 : i32
    %and3A_293 = arith.andi %eq3A_291, %lt3A_292 : i1
    %or3A_294 = arith.ori %gt3A_290, %and3A_293 : i1
    %select_n3A_295 = arith.select %or3A_294, %squeeze3A_287, %select_n3A_284 : f32
    %select_n3A_296 = arith.select %or3A_294, %squeeze3A_289, %select_n3A_285 : i32
    %slice3A_297 = vector.extract_strided_slice %select_n3A_172 {offsets = [12], sizes = [1], strides = [1]} : vector<16xf32> to vector<1xf32>
    %squeeze3A_298 = vector.extract %slice3A_297[0] : f32 from vector<1xf32>
    %slice3A_299 = vector.extract_strided_slice %select_n3A_173 {offsets = [12], sizes = [1], strides = [1]} : vector<16xi32> to vector<1xi32>
    %squeeze3A_300 = vector.extract %slice3A_299[0] : i32 from vector<1xi32>
    %gt3A_301 = arith.cmpf ogt, %squeeze3A_298, %select_n3A_295 : f32
    %eq3A_302 = arith.cmpf oeq, %squeeze3A_298, %select_n3A_295 : f32
    %lt3A_303 = arith.cmpi slt, %squeeze3A_300, %select_n3A_296 : i32
    %and3A_304 = arith.andi %eq3A_302, %lt3A_303 : i1
    %or3A_305 = arith.ori %gt3A_301, %and3A_304 : i1
    %select_n3A_306 = arith.select %or3A_305, %squeeze3A_298, %select_n3A_295 : f32
    %select_n3A_307 = arith.select %or3A_305, %squeeze3A_300, %select_n3A_296 : i32
    %slice3A_308 = vector.extract_strided_slice %select_n3A_172 {offsets = [13], sizes = [1], strides = [1]} : vector<16xf32> to vector<1xf32>
    %squeeze3A_309 = vector.extract %slice3A_308[0] : f32 from vector<1xf32>
    %slice3A_310 = vector.extract_strided_slice %select_n3A_173 {offsets = [13], sizes = [1], strides = [1]} : vector<16xi32> to vector<1xi32>
    %squeeze3A_311 = vector.extract %slice3A_310[0] : i32 from vector<1xi32>
    %gt3A_312 = arith.cmpf ogt, %squeeze3A_309, %select_n3A_306 : f32
    %eq3A_313 = arith.cmpf oeq, %squeeze3A_309, %select_n3A_306 : f32
    %lt3A_314 = arith.cmpi slt, %squeeze3A_311, %select_n3A_307 : i32
    %and3A_315 = arith.andi %eq3A_313, %lt3A_314 : i1
    %or3A_316 = arith.ori %gt3A_312, %and3A_315 : i1
    %select_n3A_317 = arith.select %or3A_316, %squeeze3A_309, %select_n3A_306 : f32
    %select_n3A_318 = arith.select %or3A_316, %squeeze3A_311, %select_n3A_307 : i32
    %slice3A_319 = vector.extract_strided_slice %select_n3A_172 {offsets = [14], sizes = [1], strides = [1]} : vector<16xf32> to vector<1xf32>
    %squeeze3A_320 = vector.extract %slice3A_319[0] : f32 from vector<1xf32>
    %slice3A_321 = vector.extract_strided_slice %select_n3A_173 {offsets = [14], sizes = [1], strides = [1]} : vector<16xi32> to vector<1xi32>
    %squeeze3A_322 = vector.extract %slice3A_321[0] : i32 from vector<1xi32>
    %gt3A_323 = arith.cmpf ogt, %squeeze3A_320, %select_n3A_317 : f32
    %eq3A_324 = arith.cmpf oeq, %squeeze3A_320, %select_n3A_317 : f32
    %lt3A_325 = arith.cmpi slt, %squeeze3A_322, %select_n3A_318 : i32
    %and3A_326 = arith.andi %eq3A_324, %lt3A_325 : i1
    %or3A_327 = arith.ori %gt3A_323, %and3A_326 : i1
    %select_n3A_328 = arith.select %or3A_327, %squeeze3A_320, %select_n3A_317 : f32
    %select_n3A_329 = arith.select %or3A_327, %squeeze3A_322, %select_n3A_318 : i32
    %slice3A_330 = vector.extract_strided_slice %select_n3A_172 {offsets = [15], sizes = [1], strides = [1]} : vector<16xf32> to vector<1xf32>
    %squeeze3A_331 = vector.extract %slice3A_330[0] : f32 from vector<1xf32>
    %slice3A_332 = vector.extract_strided_slice %select_n3A_173 {offsets = [15], sizes = [1], strides = [1]} : vector<16xi32> to vector<1xi32>
    %squeeze3A_333 = vector.extract %slice3A_332[0] : i32 from vector<1xi32>
    %gt3A_334 = arith.cmpf ogt, %squeeze3A_331, %select_n3A_328 : f32
    %eq3A_335 = arith.cmpf oeq, %squeeze3A_331, %select_n3A_328 : f32
    %lt3A_336 = arith.cmpi slt, %squeeze3A_333, %select_n3A_329 : i32
    %and3A_337 = arith.andi %eq3A_335, %lt3A_336 : i1
    %or3A_338 = arith.ori %gt3A_334, %and3A_337 : i1
    %select_n3A_339 = arith.select %or3A_338, %squeeze3A_331, %select_n3A_328 : f32
    %select_n3A_340 = arith.select %or3A_338, %squeeze3A_333, %select_n3A_329 : i32
    %broadcast_in_dim3A_341 = arith.constant 0.000000e+00 : f32
    %broadcast_in_dim3A_342 = vector.broadcast %broadcast_in_dim3A_341 : f32 to vector<16xf32>
    %broadcast_in_dim3A_343 = arith.constant 0.000000e+00 : f32
    %broadcast_in_dim3A_344 = vector.broadcast %broadcast_in_dim3A_343 : f32 to vector<16xf32>
    %broadcast_in_dim3A_345 = arith.constant 0.000000e+00 : f32
    %broadcast_in_dim3A_346 = vector.broadcast %broadcast_in_dim3A_345 : f32 to vector<16xf32>
    %broadcast_in_dim3A_347 = arith.constant 0.000000e+00 : f32
    %broadcast_in_dim3A_348 = vector.broadcast %broadcast_in_dim3A_347 : f32 to vector<16xf32>
    %broadcast_in_dim3A_349 = arith.constant 0.000000e+00 : f32
    %broadcast_in_dim3A_350 = vector.broadcast %broadcast_in_dim3A_349 : f32 to vector<16xf32>
    %broadcast_in_dim3A_351 = arith.constant 0.000000e+00 : f32
    %broadcast_in_dim3A_352 = vector.broadcast %broadcast_in_dim3A_351 : f32 to vector<16xf32>
    %broadcast_in_dim3A_353 = arith.constant 0.000000e+00 : f32
    %broadcast_in_dim3A_354 = vector.broadcast %broadcast_in_dim3A_353 : f32 to vector<16xf32>
    %broadcast_in_dim3A_355 = arith.constant 0.000000e+00 : f32
    %broadcast_in_dim3A_356 = vector.broadcast %broadcast_in_dim3A_355 : f32 to vector<16xf32>
    %scan3A_357 = arith.constant 0 : i32
    %scan3A_358 = arith.constant 64 : i32
    %scan3A_359 = arith.addi %scan3A_357, %scan3A_358 : i32
    %scan3A_360 = arith.constant 1 : i32
    %scan3A_361:8 = scf.for %scan3A_460 = %scan3A_357 to %scan3A_359 step %scan3A_360 iter_args(%scan3A_461 = %broadcast_in_dim3A_342, %scan3A_462 = %broadcast_in_dim3A_344, %scan3A_463 = %broadcast_in_dim3A_346, %scan3A_464 = %broadcast_in_dim3A_348, %scan3A_465 = %broadcast_in_dim3A_350, %scan3A_466 = %broadcast_in_dim3A_352, %scan3A_467 = %broadcast_in_dim3A_354, %scan3A_468 = %broadcast_in_dim3A_356) -> (vector<16xf32>, vector<16xf32>, vector<16xf32>, vector<16xf32>, vector<16xf32>, vector<16xf32>, vector<16xf32>, vector<16xf32>)  : i32 {
      %mul3A_469 = arith.constant 128 : i32
      %mul3A_470 = arith.muli %scan3A_460, %mul3A_469 : i32
      %add3A_471 = arith.constant 0 : i32
      %add3A_472 = arith.addi %mul3A_470, %add3A_471 : i32
      %get3A_473 = arith.index_cast %add3A_472 : i32 to index
      %get3A_474 = tpu.vector_load %arg7[%get3A_473] {strides = array<i32>} : memref<8192xf32, #tpu.memory_space<vmem>>, vector<16xf32>,
      %get3A_475 = vector.shape_cast %get3A_474 : vector<16xf32> to vector<16xf32>
      %get3A_476 = arith.index_cast %add3A_472 : i32 to index
      %get3A_477 = tpu.vector_load %arg8[%get3A_476] {strides = array<i32>} : memref<8192xf32, #tpu.memory_space<vmem>>, vector<16xf32>,
      %get3A_478 = vector.shape_cast %get3A_477 : vector<16xf32> to vector<16xf32>
      %mul3A_479 = vector.broadcast %select_n3A_339 : f32 to vector<16xf32>
      %mul3A_480 = arith.mulf %mul3A_479, %get3A_475 : vector<16xf32>
      %add3A_481 = arith.addf %mul3A_480, %get3A_478 : vector<16xf32>
      %exp3A_482 = math.exp %add3A_481 : vector<16xf32>
      %swap3A_483 = arith.index_cast %add3A_472 : i32 to index
      %swap3A_484 = tpu.vector_load %arg9[%swap3A_483] {strides = array<i32>} : memref<8192xf32, #tpu.memory_space<vmem>>, vector<16xf32>,
      %swap3A_485 = vector.shape_cast %swap3A_484 : vector<16xf32> to vector<16xf32>
      %swap3A_486 = vector.shape_cast %exp3A_482 : vector<16xf32> to vector<16xf32>
      tpu.vector_store %arg9[%swap3A_483], %swap3A_486 {strides = array<i32>} : memref<8192xf32, #tpu.memory_space<vmem>>, vector<16xf32>,
      %add3A_487 = arith.addf %scan3A_461, %exp3A_482 : vector<16xf32>
      %mul3A_488 = arith.constant 128 : i32
      %mul3A_489 = arith.muli %scan3A_460, %mul3A_488 : i32
      %add3A_490 = arith.constant 16 : i32
      %add3A_491 = arith.addi %mul3A_489, %add3A_490 : i32
      %get3A_492 = arith.index_cast %add3A_491 : i32 to index
      %get3A_493 = tpu.vector_load %arg7[%get3A_492] {strides = array<i32>} : memref<8192xf32, #tpu.memory_space<vmem>>, vector<16xf32>,
      %get3A_494 = vector.shape_cast %get3A_493 : vector<16xf32> to vector<16xf32>
      %get3A_495 = arith.index_cast %add3A_491 : i32 to index
      %get3A_496 = tpu.vector_load %arg8[%get3A_495] {strides = array<i32>} : memref<8192xf32, #tpu.memory_space<vmem>>, vector<16xf32>,
      %get3A_497 = vector.shape_cast %get3A_496 : vector<16xf32> to vector<16xf32>
      %mul3A_498 = vector.broadcast %select_n3A_339 : f32 to vector<16xf32>
      %mul3A_499 = arith.mulf %mul3A_498, %get3A_494 : vector<16xf32>
      %add3A_500 = arith.addf %mul3A_499, %get3A_497 : vector<16xf32>
      %exp3A_501 = math.exp %add3A_500 : vector<16xf32>
      %swap3A_502 = arith.index_cast %add3A_491 : i32 to index
      %swap3A_503 = tpu.vector_load %arg9[%swap3A_502] {strides = array<i32>} : memref<8192xf32, #tpu.memory_space<vmem>>, vector<16xf32>,
      %swap3A_504 = vector.shape_cast %swap3A_503 : vector<16xf32> to vector<16xf32>
      %swap3A_505 = vector.shape_cast %exp3A_501 : vector<16xf32> to vector<16xf32>
      tpu.vector_store %arg9[%swap3A_502], %swap3A_505 {strides = array<i32>} : memref<8192xf32, #tpu.memory_space<vmem>>, vector<16xf32>,
      %add3A_506 = arith.addf %scan3A_462, %exp3A_501 : vector<16xf32>
      %mul3A_507 = arith.constant 128 : i32
      %mul3A_508 = arith.muli %scan3A_460, %mul3A_507 : i32
      %add3A_509 = arith.constant 32 : i32
      %add3A_510 = arith.addi %mul3A_508, %add3A_509 : i32
      %get3A_511 = arith.index_cast %add3A_510 : i32 to index
      %get3A_512 = tpu.vector_load %arg7[%get3A_511] {strides = array<i32>} : memref<8192xf32, #tpu.memory_space<vmem>>, vector<16xf32>,
      %get3A_513 = vector.shape_cast %get3A_512 : vector<16xf32> to vector<16xf32>
      %get3A_514 = arith.index_cast %add3A_510 : i32 to index
      %get3A_515 = tpu.vector_load %arg8[%get3A_514] {strides = array<i32>} : memref<8192xf32, #tpu.memory_space<vmem>>, vector<16xf32>,
      %get3A_516 = vector.shape_cast %get3A_515 : vector<16xf32> to vector<16xf32>
      %mul3A_517 = vector.broadcast %select_n3A_339 : f32 to vector<16xf32>
      %mul3A_518 = arith.mulf %mul3A_517, %get3A_513 : vector<16xf32>
      %add3A_519 = arith.addf %mul3A_518, %get3A_516 : vector<16xf32>
      %exp3A_520 = math.exp %add3A_519 : vector<16xf32>
      %swap3A_521 = arith.index_cast %add3A_510 : i32 to index
      %swap3A_522 = tpu.vector_load %arg9[%swap3A_521] {strides = array<i32>} : memref<8192xf32, #tpu.memory_space<vmem>>, vector<16xf32>,
      %swap3A_523 = vector.shape_cast %swap3A_522 : vector<16xf32> to vector<16xf32>
      %swap3A_524 = vector.shape_cast %exp3A_520 : vector<16xf32> to vector<16xf32>
      tpu.vector_store %arg9[%swap3A_521], %swap3A_524 {strides = array<i32>} : memref<8192xf32, #tpu.memory_space<vmem>>, vector<16xf32>,
      %add3A_525 = arith.addf %scan3A_463, %exp3A_520 : vector<16xf32>
      %mul3A_526 = arith.constant 128 : i32
      %mul3A_527 = arith.muli %scan3A_460, %mul3A_526 : i32
      %add3A_528 = arith.constant 48 : i32
      %add3A_529 = arith.addi %mul3A_527, %add3A_528 : i32
      %get3A_530 = arith.index_cast %add3A_529 : i32 to index
      %get3A_531 = tpu.vector_load %arg7[%get3A_530] {strides = array<i32>} : memref<8192xf32, #tpu.memory_space<vmem>>, vector<16xf32>,
      %get3A_532 = vector.shape_cast %get3A_531 : vector<16xf32> to vector<16xf32>
      %get3A_533 = arith.index_cast %add3A_529 : i32 to index
      %get3A_534 = tpu.vector_load %arg8[%get3A_533] {strides = array<i32>} : memref<8192xf32, #tpu.memory_space<vmem>>, vector<16xf32>,
      %get3A_535 = vector.shape_cast %get3A_534 : vector<16xf32> to vector<16xf32>
      %mul3A_536 = vector.broadcast %select_n3A_339 : f32 to vector<16xf32>
      %mul3A_537 = arith.mulf %mul3A_536, %get3A_532 : vector<16xf32>
      %add3A_538 = arith.addf %mul3A_537, %get3A_535 : vector<16xf32>
      %exp3A_539 = math.exp %add3A_538 : vector<16xf32>
      %swap3A_540 = arith.index_cast %add3A_529 : i32 to index
      %swap3A_541 = tpu.vector_load %arg9[%swap3A_540] {strides = array<i32>} : memref<8192xf32, #tpu.memory_space<vmem>>, vector<16xf32>,
      %swap3A_542 = vector.shape_cast %swap3A_541 : vector<16xf32> to vector<16xf32>
      %swap3A_543 = vector.shape_cast %exp3A_539 : vector<16xf32> to vector<16xf32>
      tpu.vector_store %arg9[%swap3A_540], %swap3A_543 {strides = array<i32>} : memref<8192xf32, #tpu.memory_space<vmem>>, vector<16xf32>,
      %add3A_544 = arith.addf %scan3A_464, %exp3A_539 : vector<16xf32>
      %mul3A_545 = arith.constant 128 : i32
      %mul3A_546 = arith.muli %scan3A_460, %mul3A_545 : i32
      %add3A_547 = arith.constant 64 : i32
      %add3A_548 = arith.addi %mul3A_546, %add3A_547 : i32
      %get3A_549 = arith.index_cast %add3A_548 : i32 to index
      %get3A_550 = tpu.vector_load %arg7[%get3A_549] {strides = array<i32>} : memref<8192xf32, #tpu.memory_space<vmem>>, vector<16xf32>,
      %get3A_551 = vector.shape_cast %get3A_550 : vector<16xf32> to vector<16xf32>
      %get3A_552 = arith.index_cast %add3A_548 : i32 to index
      %get3A_553 = tpu.vector_load %arg8[%get3A_552] {strides = array<i32>} : memref<8192xf32, #tpu.memory_space<vmem>>, vector<16xf32>,
      %get3A_554 = vector.shape_cast %get3A_553 : vector<16xf32> to vector<16xf32>
      %mul3A_555 = vector.broadcast %select_n3A_339 : f32 to vector<16xf32>
      %mul3A_556 = arith.mulf %mul3A_555, %get3A_551 : vector<16xf32>
      %add3A_557 = arith.addf %mul3A_556, %get3A_554 : vector<16xf32>
      %exp3A_558 = math.exp %add3A_557 : vector<16xf32>
      %swap3A_559 = arith.index_cast %add3A_548 : i32 to index
      %swap3A_560 = tpu.vector_load %arg9[%swap3A_559] {strides = array<i32>} : memref<8192xf32, #tpu.memory_space<vmem>>, vector<16xf32>,
      %swap3A_561 = vector.shape_cast %swap3A_560 : vector<16xf32> to vector<16xf32>
      %swap3A_562 = vector.shape_cast %exp3A_558 : vector<16xf32> to vector<16xf32>
      tpu.vector_store %arg9[%swap3A_559], %swap3A_562 {strides = array<i32>} : memref<8192xf32, #tpu.memory_space<vmem>>, vector<16xf32>,
      %add3A_563 = arith.addf %scan3A_465, %exp3A_558 : vector<16xf32>
      %mul3A_564 = arith.constant 128 : i32
      %mul3A_565 = arith.muli %scan3A_460, %mul3A_564 : i32
      %add3A_566 = arith.constant 80 : i32
      %add3A_567 = arith.addi %mul3A_565, %add3A_566 : i32
      %get3A_568 = arith.index_cast %add3A_567 : i32 to index
      %get3A_569 = tpu.vector_load %arg7[%get3A_568] {strides = array<i32>} : memref<8192xf32, #tpu.memory_space<vmem>>, vector<16xf32>,
      %get3A_570 = vector.shape_cast %get3A_569 : vector<16xf32> to vector<16xf32>
      %get3A_571 = arith.index_cast %add3A_567 : i32 to index
      %get3A_572 = tpu.vector_load %arg8[%get3A_571] {strides = array<i32>} : memref<8192xf32, #tpu.memory_space<vmem>>, vector<16xf32>,
      %get3A_573 = vector.shape_cast %get3A_572 : vector<16xf32> to vector<16xf32>
      %mul3A_574 = vector.broadcast %select_n3A_339 : f32 to vector<16xf32>
      %mul3A_575 = arith.mulf %mul3A_574, %get3A_570 : vector<16xf32>
      %add3A_576 = arith.addf %mul3A_575, %get3A_573 : vector<16xf32>
      %exp3A_577 = math.exp %add3A_576 : vector<16xf32>
      %swap3A_578 = arith.index_cast %add3A_567 : i32 to index
      %swap3A_579 = tpu.vector_load %arg9[%swap3A_578] {strides = array<i32>} : memref<8192xf32, #tpu.memory_space<vmem>>, vector<16xf32>,
      %swap3A_580 = vector.shape_cast %swap3A_579 : vector<16xf32> to vector<16xf32>
      %swap3A_581 = vector.shape_cast %exp3A_577 : vector<16xf32> to vector<16xf32>
      tpu.vector_store %arg9[%swap3A_578], %swap3A_581 {strides = array<i32>} : memref<8192xf32, #tpu.memory_space<vmem>>, vector<16xf32>,
      %add3A_582 = arith.addf %scan3A_466, %exp3A_577 : vector<16xf32>
      %mul3A_583 = arith.constant 128 : i32
      %mul3A_584 = arith.muli %scan3A_460, %mul3A_583 : i32
      %add3A_585 = arith.constant 96 : i32
      %add3A_586 = arith.addi %mul3A_584, %add3A_585 : i32
      %get3A_587 = arith.index_cast %add3A_586 : i32 to index
      %get3A_588 = tpu.vector_load %arg7[%get3A_587] {strides = array<i32>} : memref<8192xf32, #tpu.memory_space<vmem>>, vector<16xf32>,
      %get3A_589 = vector.shape_cast %get3A_588 : vector<16xf32> to vector<16xf32>
      %get3A_590 = arith.index_cast %add3A_586 : i32 to index
      %get3A_591 = tpu.vector_load %arg8[%get3A_590] {strides = array<i32>} : memref<8192xf32, #tpu.memory_space<vmem>>, vector<16xf32>,
      %get3A_592 = vector.shape_cast %get3A_591 : vector<16xf32> to vector<16xf32>
      %mul3A_593 = vector.broadcast %select_n3A_339 : f32 to vector<16xf32>
      %mul3A_594 = arith.mulf %mul3A_593, %get3A_589 : vector<16xf32>
      %add3A_595 = arith.addf %mul3A_594, %get3A_592 : vector<16xf32>
      %exp3A_596 = math.exp %add3A_595 : vector<16xf32>
      %swap3A_597 = arith.index_cast %add3A_586 : i32 to index
      %swap3A_598 = tpu.vector_load %arg9[%swap3A_597] {strides = array<i32>} : memref<8192xf32, #tpu.memory_space<vmem>>, vector<16xf32>,
      %swap3A_599 = vector.shape_cast %swap3A_598 : vector<16xf32> to vector<16xf32>
      %swap3A_600 = vector.shape_cast %exp3A_596 : vector<16xf32> to vector<16xf32>
      tpu.vector_store %arg9[%swap3A_597], %swap3A_600 {strides = array<i32>} : memref<8192xf32, #tpu.memory_space<vmem>>, vector<16xf32>,
      %add3A_601 = arith.addf %scan3A_467, %exp3A_596 : vector<16xf32>
      %mul3A_602 = arith.constant 128 : i32
      %mul3A_603 = arith.muli %scan3A_460, %mul3A_602 : i32
      %add3A_604 = arith.constant 112 : i32
      %add3A_605 = arith.addi %mul3A_603, %add3A_604 : i32
      %get3A_606 = arith.index_cast %add3A_605 : i32 to index
      %get3A_607 = tpu.vector_load %arg7[%get3A_606] {strides = array<i32>} : memref<8192xf32, #tpu.memory_space<vmem>>, vector<16xf32>,
      %get3A_608 = vector.shape_cast %get3A_607 : vector<16xf32> to vector<16xf32>
      %get3A_609 = arith.index_cast %add3A_605 : i32 to index
      %get3A_610 = tpu.vector_load %arg8[%get3A_609] {strides = array<i32>} : memref<8192xf32, #tpu.memory_space<vmem>>, vector<16xf32>,
      %get3A_611 = vector.shape_cast %get3A_610 : vector<16xf32> to vector<16xf32>
      %mul3A_612 = vector.broadcast %select_n3A_339 : f32 to vector<16xf32>
      %mul3A_613 = arith.mulf %mul3A_612, %get3A_608 : vector<16xf32>
      %add3A_614 = arith.addf %mul3A_613, %get3A_611 : vector<16xf32>
      %exp3A_615 = math.exp %add3A_614 : vector<16xf32>
      %swap3A_616 = arith.index_cast %add3A_605 : i32 to index
      %swap3A_617 = tpu.vector_load %arg9[%swap3A_616] {strides = array<i32>} : memref<8192xf32, #tpu.memory_space<vmem>>, vector<16xf32>,
      %swap3A_618 = vector.shape_cast %swap3A_617 : vector<16xf32> to vector<16xf32>
      %swap3A_619 = vector.shape_cast %exp3A_615 : vector<16xf32> to vector<16xf32>
      tpu.vector_store %arg9[%swap3A_616], %swap3A_619 {strides = array<i32>} : memref<8192xf32, #tpu.memory_space<vmem>>, vector<16xf32>,
      %add3A_620 = arith.addf %scan3A_468, %exp3A_615 : vector<16xf32>
      scf.yield %add3A_487, %add3A_506, %add3A_525, %add3A_544, %add3A_563, %add3A_582, %add3A_601, %add3A_620 : vector<16xf32>, vector<16xf32>, vector<16xf32>, vector<16xf32>, vector<16xf32>, vector<16xf32>, vector<16xf32>, vector<16xf32>
    }
    %scan3A_362 = arith.constant 64 : i32
    %add3A_363 = arith.addf %scan3A_361#0, %scan3A_361#1 : vector<16xf32>
    %add3A_364 = arith.addf %add3A_363, %scan3A_361#2 : vector<16xf32>
    %add3A_365 = arith.addf %add3A_364, %scan3A_361#3 : vector<16xf32>
    %add3A_366 = arith.addf %add3A_365, %scan3A_361#4 : vector<16xf32>
    %add3A_367 = arith.addf %add3A_366, %scan3A_361#5 : vector<16xf32>
    %add3A_368 = arith.addf %add3A_367, %scan3A_361#6 : vector<16xf32>
    %add3A_369 = arith.addf %add3A_368, %scan3A_361#7 : vector<16xf32>
    %shift_right_arithmetic3A = arith.constant 4 : i32
    %shift_right_arithmetic3A_370 = arith.shrsi %select_n3A_340, %shift_right_arithmetic3A : i32
    %mul3A_371 = arith.constant 16 : i32
    %mul3A_372 = arith.muli %shift_right_arithmetic3A_370, %mul3A_371 : i32
    %get3A = arith.index_cast %mul3A_372 : i32 to index
    %get3A_373 = tpu.vector_load %arg8[%get3A] {strides = array<i32>} : memref<8192xf32, #tpu.memory_space<vmem>>, vector<16xf32>,
    %get3A_374 = vector.shape_cast %get3A_373 : vector<16xf32> to vector<16xf32>
    %get3A_375 = arith.index_cast %mul3A_372 : i32 to index
    %get3A_376 = tpu.vector_load %arg9[%get3A_375] {strides = array<i32>} : memref<8192xf32, #tpu.memory_space<vmem>>, vector<16xf32>,
    %get3A_377 = vector.shape_cast %get3A_376 : vector<16xf32> to vector<16xf32>
    %and3A_378 = arith.constant 15 : i32
    %and3A_379 = arith.andi %select_n3A_340, %and3A_378 : i32
    %eq3A_380 = vector.broadcast %and3A_379 : i32 to vector<16xi32>
    %eq3A_381 = arith.cmpi eq, %iota3A, %eq3A_380 : vector<16xi32>
    %add3A_382 = vector.broadcast %select_n3A_339 : f32 to vector<16xf32>
    %add3A_383 = arith.addf %add3A_382, %get3A_374 : vector<16xf32>
    %exp3A = math.exp %add3A_383 : vector<16xf32>
    %select_n3A_384 = arith.select %eq3A_381, %exp3A, %get3A_377 : vector<16xi1>, vector<16xf32>
    %swap3A = arith.index_cast %mul3A_372 : i32 to index
    %swap3A_385 = tpu.vector_load %arg9[%swap3A] {strides = array<i32>} : memref<8192xf32, #tpu.memory_space<vmem>>, vector<16xf32>,
    %swap3A_386 = vector.shape_cast %swap3A_385 : vector<16xf32> to vector<16xf32>
    %swap3A_387 = vector.shape_cast %select_n3A_384 : vector<16xf32> to vector<16xf32>
    tpu.vector_store %arg9[%swap3A], %swap3A_387 {strides = array<i32>} : memref<8192xf32, #tpu.memory_space<vmem>>, vector<16xf32>,
    %sub3A = arith.subf %select_n3A_384, %get3A_377 : vector<16xf32>
    %add3A_388 = arith.addf %add3A_369, %sub3A : vector<16xf32>
    %slice3A_389 = vector.extract_strided_slice %add3A_388 {offsets = [0], sizes = [1], strides = [1]} : vector<16xf32> to vector<1xf32>
    %squeeze3A_390 = vector.extract %slice3A_389[0] : f32 from vector<1xf32>
    %slice3A_391 = vector.extract_strided_slice %add3A_388 {offsets = [1], sizes = [1], strides = [1]} : vector<16xf32> to vector<1xf32>
    %squeeze3A_392 = vector.extract %slice3A_391[0] : f32 from vector<1xf32>
    %add3A_393 = arith.addf %squeeze3A_390, %squeeze3A_392 : f32
    %slice3A_394 = vector.extract_strided_slice %add3A_388 {offsets = [2], sizes = [1], strides = [1]} : vector<16xf32> to vector<1xf32>
    %squeeze3A_395 = vector.extract %slice3A_394[0] : f32 from vector<1xf32>
    %add3A_396 = arith.addf %add3A_393, %squeeze3A_395 : f32
    %slice3A_397 = vector.extract_strided_slice %add3A_388 {offsets = [3], sizes = [1], strides = [1]} : vector<16xf32> to vector<1xf32>
    %squeeze3A_398 = vector.extract %slice3A_397[0] : f32 from vector<1xf32>
    %add3A_399 = arith.addf %add3A_396, %squeeze3A_398 : f32
    %slice3A_400 = vector.extract_strided_slice %add3A_388 {offsets = [4], sizes = [1], strides = [1]} : vector<16xf32> to vector<1xf32>
    %squeeze3A_401 = vector.extract %slice3A_400[0] : f32 from vector<1xf32>
    %add3A_402 = arith.addf %add3A_399, %squeeze3A_401 : f32
    %slice3A_403 = vector.extract_strided_slice %add3A_388 {offsets = [5], sizes = [1], strides = [1]} : vector<16xf32> to vector<1xf32>
    %squeeze3A_404 = vector.extract %slice3A_403[0] : f32 from vector<1xf32>
    %add3A_405 = arith.addf %add3A_402, %squeeze3A_404 : f32
    %slice3A_406 = vector.extract_strided_slice %add3A_388 {offsets = [6], sizes = [1], strides = [1]} : vector<16xf32> to vector<1xf32>
    %squeeze3A_407 = vector.extract %slice3A_406[0] : f32 from vector<1xf32>
    %add3A_408 = arith.addf %add3A_405, %squeeze3A_407 : f32
    %slice3A_409 = vector.extract_strided_slice %add3A_388 {offsets = [7], sizes = [1], strides = [1]} : vector<16xf32> to vector<1xf32>
    %squeeze3A_410 = vector.extract %slice3A_409[0] : f32 from vector<1xf32>
    %add3A_411 = arith.addf %add3A_408, %squeeze3A_410 : f32
    %slice3A_412 = vector.extract_strided_slice %add3A_388 {offsets = [8], sizes = [1], strides = [1]} : vector<16xf32> to vector<1xf32>
    %squeeze3A_413 = vector.extract %slice3A_412[0] : f32 from vector<1xf32>
    %add3A_414 = arith.addf %add3A_411, %squeeze3A_413 : f32
    %slice3A_415 = vector.extract_strided_slice %add3A_388 {offsets = [9], sizes = [1], strides = [1]} : vector<16xf32> to vector<1xf32>
    %squeeze3A_416 = vector.extract %slice3A_415[0] : f32 from vector<1xf32>
    %add3A_417 = arith.addf %add3A_414, %squeeze3A_416 : f32
    %slice3A_418 = vector.extract_strided_slice %add3A_388 {offsets = [10], sizes = [1], strides = [1]} : vector<16xf32> to vector<1xf32>
    %squeeze3A_419 = vector.extract %slice3A_418[0] : f32 from vector<1xf32>
    %add3A_420 = arith.addf %add3A_417, %squeeze3A_419 : f32
    %slice3A_421 = vector.extract_strided_slice %add3A_388 {offsets = [11], sizes = [1], strides = [1]} : vector<16xf32> to vector<1xf32>
    %squeeze3A_422 = vector.extract %slice3A_421[0] : f32 from vector<1xf32>
    %add3A_423 = arith.addf %add3A_420, %squeeze3A_422 : f32
    %slice3A_424 = vector.extract_strided_slice %add3A_388 {offsets = [12], sizes = [1], strides = [1]} : vector<16xf32> to vector<1xf32>
    %squeeze3A_425 = vector.extract %slice3A_424[0] : f32 from vector<1xf32>
    %add3A_426 = arith.addf %add3A_423, %squeeze3A_425 : f32
    %slice3A_427 = vector.extract_strided_slice %add3A_388 {offsets = [13], sizes = [1], strides = [1]} : vector<16xf32> to vector<1xf32>
    %squeeze3A_428 = vector.extract %slice3A_427[0] : f32 from vector<1xf32>
    %add3A_429 = arith.addf %add3A_426, %squeeze3A_428 : f32
    %slice3A_430 = vector.extract_strided_slice %add3A_388 {offsets = [14], sizes = [1], strides = [1]} : vector<16xf32> to vector<1xf32>
    %squeeze3A_431 = vector.extract %slice3A_430[0] : f32 from vector<1xf32>
    %add3A_432 = arith.addf %add3A_429, %squeeze3A_431 : f32
    %slice3A_433 = vector.extract_strided_slice %add3A_388 {offsets = [15], sizes = [1], strides = [1]} : vector<16xf32> to vector<1xf32>
    %squeeze3A_434 = vector.extract %slice3A_433[0] : f32 from vector<1xf32>
    %add3A_435 = arith.addf %add3A_432, %squeeze3A_434 : f32
    %broadcast_in_dim3A_436 = arith.constant 1.000000e+00 : f32
    %broadcast_in_dim3A_437 = vector.broadcast %broadcast_in_dim3A_436 : f32 to vector<16xf32>
    %broadcast_in_dim3A_438 = arith.constant 0.000000e+00 : f32
    %broadcast_in_dim3A_439 = vector.broadcast %broadcast_in_dim3A_438 : f32 to vector<16xf32>
    %add3A_440 = vector.broadcast %add3A_435 : f32 to vector<16xf32>
    %add3A_441 = arith.addf %broadcast_in_dim3A_439, %add3A_440 : vector<16xf32>
    %div3A = arith.divf %broadcast_in_dim3A_437, %add3A_441 : vector<16xf32>
    %scan3A_442 = arith.constant 0 : i32
    %scan3A_443 = arith.constant 0 : i32
    %scan3A_444 = arith.constant 64 : i32
    %scan3A_445 = arith.addi %scan3A_443, %scan3A_444 : i32
    %scan3A_446 = arith.constant 1 : i32
    scf.for %scan3A_460 = %scan3A_443 to %scan3A_445 step %scan3A_446  : i32 {
      %mul3A_461 = arith.constant 128 : i32
      %mul3A_462 = arith.muli %scan3A_460, %mul3A_461 : i32
      %add3A_463 = arith.constant 0 : i32
      %add3A_464 = arith.addi %mul3A_462, %add3A_463 : i32
      %get3A_465 = arith.index_cast %add3A_464 : i32 to index
      %get3A_466 = tpu.vector_load %arg9[%get3A_465] {strides = array<i32>} : memref<8192xf32, #tpu.memory_space<vmem>>, vector<16xf32>,
      %get3A_467 = vector.shape_cast %get3A_466 : vector<16xf32> to vector<16xf32>
      %mul3A_468 = arith.mulf %get3A_467, %div3A : vector<16xf32>
      %swap3A_469 = arith.index_cast %add3A_464 : i32 to index
      %swap3A_470 = tpu.vector_load %arg9[%swap3A_469] {strides = array<i32>} : memref<8192xf32, #tpu.memory_space<vmem>>, vector<16xf32>,
      %swap3A_471 = vector.shape_cast %swap3A_470 : vector<16xf32> to vector<16xf32>
      %swap3A_472 = vector.shape_cast %mul3A_468 : vector<16xf32> to vector<16xf32>
      tpu.vector_store %arg9[%swap3A_469], %swap3A_472 {strides = array<i32>} : memref<8192xf32, #tpu.memory_space<vmem>>, vector<16xf32>,
      %mul3A_473 = arith.constant 128 : i32
      %mul3A_474 = arith.muli %scan3A_460, %mul3A_473 : i32
      %add3A_475 = arith.constant 16 : i32
      %add3A_476 = arith.addi %mul3A_474, %add3A_475 : i32
      %get3A_477 = arith.index_cast %add3A_476 : i32 to index
      %get3A_478 = tpu.vector_load %arg9[%get3A_477] {strides = array<i32>} : memref<8192xf32, #tpu.memory_space<vmem>>, vector<16xf32>,
      %get3A_479 = vector.shape_cast %get3A_478 : vector<16xf32> to vector<16xf32>
      %mul3A_480 = arith.mulf %get3A_479, %div3A : vector<16xf32>
      %swap3A_481 = arith.index_cast %add3A_476 : i32 to index
      %swap3A_482 = tpu.vector_load %arg9[%swap3A_481] {strides = array<i32>} : memref<8192xf32, #tpu.memory_space<vmem>>, vector<16xf32>,
      %swap3A_483 = vector.shape_cast %swap3A_482 : vector<16xf32> to vector<16xf32>
      %swap3A_484 = vector.shape_cast %mul3A_480 : vector<16xf32> to vector<16xf32>
      tpu.vector_store %arg9[%swap3A_481], %swap3A_484 {strides = array<i32>} : memref<8192xf32, #tpu.memory_space<vmem>>, vector<16xf32>,
      %mul3A_485 = arith.constant 128 : i32
      %mul3A_486 = arith.muli %scan3A_460, %mul3A_485 : i32
      %add3A_487 = arith.constant 32 : i32
      %add3A_488 = arith.addi %mul3A_486, %add3A_487 : i32
      %get3A_489 = arith.index_cast %add3A_488 : i32 to index
      %get3A_490 = tpu.vector_load %arg9[%get3A_489] {strides = array<i32>} : memref<8192xf32, #tpu.memory_space<vmem>>, vector<16xf32>,
      %get3A_491 = vector.shape_cast %get3A_490 : vector<16xf32> to vector<16xf32>
      %mul3A_492 = arith.mulf %get3A_491, %div3A : vector<16xf32>
      %swap3A_493 = arith.index_cast %add3A_488 : i32 to index
      %swap3A_494 = tpu.vector_load %arg9[%swap3A_493] {strides = array<i32>} : memref<8192xf32, #tpu.memory_space<vmem>>, vector<16xf32>,
      %swap3A_495 = vector.shape_cast %swap3A_494 : vector<16xf32> to vector<16xf32>
      %swap3A_496 = vector.shape_cast %mul3A_492 : vector<16xf32> to vector<16xf32>
      tpu.vector_store %arg9[%swap3A_493], %swap3A_496 {strides = array<i32>} : memref<8192xf32, #tpu.memory_space<vmem>>, vector<16xf32>,
      %mul3A_497 = arith.constant 128 : i32
      %mul3A_498 = arith.muli %scan3A_460, %mul3A_497 : i32
      %add3A_499 = arith.constant 48 : i32
      %add3A_500 = arith.addi %mul3A_498, %add3A_499 : i32
      %get3A_501 = arith.index_cast %add3A_500 : i32 to index
      %get3A_502 = tpu.vector_load %arg9[%get3A_501] {strides = array<i32>} : memref<8192xf32, #tpu.memory_space<vmem>>, vector<16xf32>,
      %get3A_503 = vector.shape_cast %get3A_502 : vector<16xf32> to vector<16xf32>
      %mul3A_504 = arith.mulf %get3A_503, %div3A : vector<16xf32>
      %swap3A_505 = arith.index_cast %add3A_500 : i32 to index
      %swap3A_506 = tpu.vector_load %arg9[%swap3A_505] {strides = array<i32>} : memref<8192xf32, #tpu.memory_space<vmem>>, vector<16xf32>,
      %swap3A_507 = vector.shape_cast %swap3A_506 : vector<16xf32> to vector<16xf32>
      %swap3A_508 = vector.shape_cast %mul3A_504 : vector<16xf32> to vector<16xf32>
      tpu.vector_store %arg9[%swap3A_505], %swap3A_508 {strides = array<i32>} : memref<8192xf32, #tpu.memory_space<vmem>>, vector<16xf32>,
      %mul3A_509 = arith.constant 128 : i32
      %mul3A_510 = arith.muli %scan3A_460, %mul3A_509 : i32
      %add3A_511 = arith.constant 64 : i32
      %add3A_512 = arith.addi %mul3A_510, %add3A_511 : i32
      %get3A_513 = arith.index_cast %add3A_512 : i32 to index
      %get3A_514 = tpu.vector_load %arg9[%get3A_513] {strides = array<i32>} : memref<8192xf32, #tpu.memory_space<vmem>>, vector<16xf32>,
      %get3A_515 = vector.shape_cast %get3A_514 : vector<16xf32> to vector<16xf32>
      %mul3A_516 = arith.mulf %get3A_515, %div3A : vector<16xf32>
      %swap3A_517 = arith.index_cast %add3A_512 : i32 to index
      %swap3A_518 = tpu.vector_load %arg9[%swap3A_517] {strides = array<i32>} : memref<8192xf32, #tpu.memory_space<vmem>>, vector<16xf32>,
      %swap3A_519 = vector.shape_cast %swap3A_518 : vector<16xf32> to vector<16xf32>
      %swap3A_520 = vector.shape_cast %mul3A_516 : vector<16xf32> to vector<16xf32>
      tpu.vector_store %arg9[%swap3A_517], %swap3A_520 {strides = array<i32>} : memref<8192xf32, #tpu.memory_space<vmem>>, vector<16xf32>,
      %mul3A_521 = arith.constant 128 : i32
      %mul3A_522 = arith.muli %scan3A_460, %mul3A_521 : i32
      %add3A_523 = arith.constant 80 : i32
      %add3A_524 = arith.addi %mul3A_522, %add3A_523 : i32
      %get3A_525 = arith.index_cast %add3A_524 : i32 to index
      %get3A_526 = tpu.vector_load %arg9[%get3A_525] {strides = array<i32>} : memref<8192xf32, #tpu.memory_space<vmem>>, vector<16xf32>,
      %get3A_527 = vector.shape_cast %get3A_526 : vector<16xf32> to vector<16xf32>
      %mul3A_528 = arith.mulf %get3A_527, %div3A : vector<16xf32>
      %swap3A_529 = arith.index_cast %add3A_524 : i32 to index
      %swap3A_530 = tpu.vector_load %arg9[%swap3A_529] {strides = array<i32>} : memref<8192xf32, #tpu.memory_space<vmem>>, vector<16xf32>,
      %swap3A_531 = vector.shape_cast %swap3A_530 : vector<16xf32> to vector<16xf32>
      %swap3A_532 = vector.shape_cast %mul3A_528 : vector<16xf32> to vector<16xf32>
      tpu.vector_store %arg9[%swap3A_529], %swap3A_532 {strides = array<i32>} : memref<8192xf32, #tpu.memory_space<vmem>>, vector<16xf32>,
      %mul3A_533 = arith.constant 128 : i32
      %mul3A_534 = arith.muli %scan3A_460, %mul3A_533 : i32
      %add3A_535 = arith.constant 96 : i32
      %add3A_536 = arith.addi %mul3A_534, %add3A_535 : i32
      %get3A_537 = arith.index_cast %add3A_536 : i32 to index
      %get3A_538 = tpu.vector_load %arg9[%get3A_537] {strides = array<i32>} : memref<8192xf32, #tpu.memory_space<vmem>>, vector<16xf32>,
      %get3A_539 = vector.shape_cast %get3A_538 : vector<16xf32> to vector<16xf32>
      %mul3A_540 = arith.mulf %get3A_539, %div3A : vector<16xf32>
      %swap3A_541 = arith.index_cast %add3A_536 : i32 to index
      %swap3A_542 = tpu.vector_load %arg9[%swap3A_541] {strides = array<i32>} : memref<8192xf32, #tpu.memory_space<vmem>>, vector<16xf32>,
      %swap3A_543 = vector.shape_cast %swap3A_542 : vector<16xf32> to vector<16xf32>
      %swap3A_544 = vector.shape_cast %mul3A_540 : vector<16xf32> to vector<16xf32>
      tpu.vector_store %arg9[%swap3A_541], %swap3A_544 {strides = array<i32>} : memref<8192xf32, #tpu.memory_space<vmem>>, vector<16xf32>,
      %mul3A_545 = arith.constant 128 : i32
      %mul3A_546 = arith.muli %scan3A_460, %mul3A_545 : i32
      %add3A_547 = arith.constant 112 : i32
      %add3A_548 = arith.addi %mul3A_546, %add3A_547 : i32
      %get3A_549 = arith.index_cast %add3A_548 : i32 to index
      %get3A_550 = tpu.vector_load %arg9[%get3A_549] {strides = array<i32>} : memref<8192xf32, #tpu.memory_space<vmem>>, vector<16xf32>,
      %get3A_551 = vector.shape_cast %get3A_550 : vector<16xf32> to vector<16xf32>
      %mul3A_552 = arith.mulf %get3A_551, %div3A : vector<16xf32>
      %swap3A_553 = arith.index_cast %add3A_548 : i32 to index
      %swap3A_554 = tpu.vector_load %arg9[%swap3A_553] {strides = array<i32>} : memref<8192xf32, #tpu.memory_space<vmem>>, vector<16xf32>,
      %swap3A_555 = vector.shape_cast %swap3A_554 : vector<16xf32> to vector<16xf32>
      %swap3A_556 = vector.shape_cast %mul3A_552 : vector<16xf32> to vector<16xf32>
      tpu.vector_store %arg9[%swap3A_553], %swap3A_556 {strides = array<i32>} : memref<8192xf32, #tpu.memory_space<vmem>>, vector<16xf32>,
    }
    %scan3A_447 = arith.constant 64 : i32
    %dma_start3A_448 = arith.constant 0 : i32
    %dma_start3A_449 = tpu.memref_slice %arg5[%add3A_4, %dma_start3A_448] : memref<32x8192xf32, #tpu.memory_space<hbm>> -> memref<1x8192xf32, #tpu.memory_space<hbm>>
    %dma_start3A_450 = tpu.memref_squeeze %dma_start3A_449 : memref<1x8192xf32, #tpu.memory_space<hbm>> -> memref<8192xf32, #tpu.memory_space<hbm>>
    %dma_start3A_451 = arith.constant 0 : i32
    %dma_start3A_452 = tpu.memref_slice %arg5[%add3A_4, %dma_start3A_451] : memref<32x8192xf32, #tpu.memory_space<hbm>> -> memref<1x8192xf32, #tpu.memory_space<hbm>>
    %dma_start3A_453 = tpu.memref_squeeze %dma_start3A_452 : memref<1x8192xf32, #tpu.memory_space<hbm>> -> memref<8192xf32, #tpu.memory_space<hbm>>
    tpu.enqueue_dma source(%arg9 : memref<8192xf32, #tpu.memory_space<vmem>>) target(%dma_start3A_453 : memref<8192xf32, #tpu.memory_space<hbm>>) target_semaphore(%arg12 : memref<!tpu.dma_semaphore, #tpu.memory_space<semaphore_mem>>)
    %dma_wait3A_454 = arith.constant 0 : i32
    %dma_wait3A_455 = tpu.memref_slice %arg5[%add3A_4, %dma_wait3A_454] : memref<32x8192xf32, #tpu.memory_space<hbm>> -> memref<1x8192xf32, #tpu.memory_space<hbm>>
    %dma_wait3A_456 = tpu.memref_squeeze %dma_wait3A_455 : memref<1x8192xf32, #tpu.memory_space<hbm>> -> memref<8192xf32, #tpu.memory_space<hbm>>
    %dma_wait3A_457 = arith.constant 0 : i32
    %dma_wait3A_458 = tpu.memref_slice %arg5[%add3A_4, %dma_wait3A_457] : memref<32x8192xf32, #tpu.memory_space<hbm>> -> memref<1x8192xf32, #tpu.memory_space<hbm>>
    %dma_wait3A_459 = tpu.memref_squeeze %dma_wait3A_458 : memref<1x8192xf32, #tpu.memory_space<hbm>> -> memref<8192xf32, #tpu.memory_space<hbm>>
    tpu.wait_dma2 semaphore(%arg12 : memref<!tpu.dma_semaphore, #tpu.memory_space<semaphore_mem>>) src(%arg9 : memref<8192xf32, #tpu.memory_space<vmem>>) dst(%dma_wait3A_459 : memref<8192xf32, #tpu.memory_space<hbm>>)
    return
  }
}

module attributes {stable_mosaic.version = 14 : i64} {
  func.func @_tc_body(%arg0: i32, %arg1: memref<8x8192xf32, #tpu.memory_space<vmem>>, %arg2: memref<8x8192xf32, #tpu.memory_space<vmem>>, %arg3: memref<8x8192xf32, #tpu.memory_space<vmem>>, %arg4: memref<8x8192xf32, #tpu.memory_space<vmem>>) attributes {dimension_semantics = [#tpu.dimension_semantics<arbitrary>], iteration_bounds = array<i64: 4>, scalar_prefetch = 0 : i64, scratch_operands = 0 : i64, tpu.core_type = #tpu.core_type<tc>, window_params = [{transform_indices = @transform_0, window_bounds = array<i64: 8, 8192>}, {transform_indices = @transform_1, window_bounds = array<i64: 8, 8192>}, {transform_indices = @transform_2, window_bounds = array<i64: 8, 8192>}, {transform_indices = @transform_3, window_bounds = array<i64: 8, 8192>}]} {
    %get3A = arith.constant 0 : index
    %get3A_0 = arith.constant 0 : index
    %get3A_1 = vector.load %arg1[%get3A, %get3A_0] : memref<8x8192xf32, #tpu.memory_space<vmem>>, vector<8x8192xf32>
    %get3A_2 = arith.constant 0 : index
    %get3A_3 = arith.constant 0 : index
    %get3A_4 = vector.load %arg2[%get3A_2, %get3A_3] : memref<8x8192xf32, #tpu.memory_space<vmem>>, vector<8x8192xf32>
    %get3A_5 = arith.constant 0 : index
    %get3A_6 = arith.constant 0 : index
    %get3A_7 = vector.load %arg3[%get3A_5, %get3A_6] : memref<8x8192xf32, #tpu.memory_space<vmem>>, vector<8x8192xf32>
    %reduce_max3A = arith.constant dense<0xFF800000> : vector<8xf32>
    %reduce_max3A_8 = vector.multi_reduction <maximumf>, %get3A_1, %reduce_max3A [1] : vector<8x8192xf32> to vector<8xf32>
    %broadcast_in_dim3A = vector.shape_cast %reduce_max3A_8 : vector<8xf32> to vector<8x1xf32>
    %iota3A = tpu.iota {dimensions = array<i32: 1>} : vector<8x8192xi32>
    %eq3A = vector.broadcast %broadcast_in_dim3A : vector<8x1xf32> to vector<8x8192xf32>
    %eq3A_9 = arith.cmpf oeq, %get3A_1, %eq3A : vector<8x8192xf32>
    %jit3A = arith.constant 2147483647 : i32
    %broadcast_in_dim3A_10 = vector.broadcast %jit3A : i32 to vector<8x8192xi32>
    %select_n3A = arith.select %eq3A_9, %iota3A, %broadcast_in_dim3A_10 : vector<8x8192xi1>, vector<8x8192xi32>
    %reduce_min3A = arith.constant dense<2147483647> : vector<8xi32>
    %reduce_min3A_11 = vector.multi_reduction <minsi>, %select_n3A, %reduce_min3A [1] : vector<8x8192xi32> to vector<8xi32>
    %broadcast_in_dim3A_12 = vector.shape_cast %reduce_min3A_11 : vector<8xi32> to vector<8x1xi32>
    %eq3A_13 = vector.broadcast %broadcast_in_dim3A_12 : vector<8x1xi32> to vector<8x8192xi32>
    %eq3A_14 = arith.cmpi eq, %iota3A, %eq3A_13 : vector<8x8192xi32>
    %mul3A = vector.broadcast %broadcast_in_dim3A : vector<8x1xf32> to vector<8x8192xf32>
    %mul3A_15 = arith.mulf %mul3A, %get3A_4 : vector<8x8192xf32>
    %broadcast_in_dim3A_16 = vector.shape_cast %broadcast_in_dim3A : vector<8x1xf32> to vector<8x1xf32>
    %broadcast_in_dim3A_17 = vector.broadcast %broadcast_in_dim3A_16 : vector<8x1xf32> to vector<8x8192xf32>
    %select_n3A_18 = arith.select %eq3A_14, %broadcast_in_dim3A_17, %mul3A_15 : vector<8x8192xi1>, vector<8x8192xf32>
    %add3A = arith.addf %select_n3A_18, %get3A_7 : vector<8x8192xf32>
    %exp3A = math.exp %add3A : vector<8x8192xf32>
    %reduce_sum3A = arith.constant dense<0.000000e+00> : vector<8xf32>
    %reduce_sum3A_19 = vector.multi_reduction <add>, %exp3A, %reduce_sum3A [1] : vector<8x8192xf32> to vector<8xf32>
    %broadcast_in_dim3A_20 = vector.shape_cast %reduce_sum3A_19 : vector<8xf32> to vector<8x1xf32>
    %div3A = vector.broadcast %broadcast_in_dim3A_20 : vector<8x1xf32> to vector<8x8192xf32>
    %div3A_21 = arith.divf %exp3A, %div3A : vector<8x8192xf32>
    %swap3A = arith.constant 0 : index
    %swap3A_22 = arith.constant 0 : index
    %swap3A_23 = vector.load %arg4[%swap3A, %swap3A_22] : memref<8x8192xf32, #tpu.memory_space<vmem>>, vector<8x8192xf32>
    tpu.vector_store %arg4[%swap3A, %swap3A_22], %div3A_21 {strides = array<i32>} : memref<8x8192xf32, #tpu.memory_space<vmem>>, vector<8x8192xf32>,
    return
  }
  func.func @transform_0(%arg0: i32) -> (i32, i32) {
    %add3A = arith.constant 4 : i32
    %add3A_0 = arith.addi %arg0, %add3A : i32
    %c0_i32 = arith.constant 0 : i32
    %c0_i32_1 = arith.constant 0 : i32
    return %add3A_0, %c0_i32 : i32, i32
  }
  func.func @transform_1(%arg0: i32) -> (i32, i32) {
    %add3A = arith.constant 4 : i32
    %add3A_0 = arith.addi %arg0, %add3A : i32
    %c0_i32 = arith.constant 0 : i32
    %c0_i32_1 = arith.constant 0 : i32
    return %add3A_0, %c0_i32 : i32, i32
  }
  func.func @transform_2(%arg0: i32) -> (i32, i32) {
    %add3A = arith.constant 4 : i32
    %add3A_0 = arith.addi %arg0, %add3A : i32
    %c0_i32 = arith.constant 0 : i32
    %c0_i32_1 = arith.constant 0 : i32
    return %add3A_0, %c0_i32 : i32, i32
  }
  func.func @transform_3(%arg0: i32) -> (i32, i32) {
    %add3A = arith.constant 4 : i32
    %add3A_0 = arith.addi %arg0, %add3A : i32
    %c0_i32 = arith.constant 0 : i32
    %c0_i32_1 = arith.constant 0 : i32
    return %add3A_0, %c0_i32 : i32, i32
  }
}

</mosaic_0001>

<sc_bundles>
// kernel: kernel.4.cloned.1.call-start
scs
__scs_entry_jumppad:
0x0: {  	(pc) =	sbr.rel $0x88, $3  }
0x1: {  	(tag) =	ssettag $0x0;
	lr =	simm.s32 $0x1  }
0x2: {  	[smem:$0x3FA0] =	sst lr;
	_ =	strace $0xD0000000  }
0x3: {  	_ = 	snop  }
0x4: {  	_ = 	snop  }
0x5: {  	_ = 	snop  }
0x6: {  	_ = 	snop  }
0x7: {  	_ = 	snop  }
__scs_overlays_trampoline_lowered:
0x8: {  	[smem:$0x3FAF] =	sst s0  }
0x9: {  	[smem:$0x3FB0] =	sst s1  }
0xa: {  	[smem:$0x3FB1] =	sst s2  }
0xb: {  	[smem:$0x3FB2] =	sst s3  }
0xc: {  	[smem:$0x3FB3] =	sst s4  }
0xd: {  	[smem:$0x3FB4] =	sst s5  }
0xe: {  	[smem:$0x3FB5] =	sst s6  }
0xf: {  	[smem:$0x3FB6] =	sst s7  }
0x10: {  	[smem:$0x3FB7] =	sst s8  }
0x11: {  	[smem:$0x3FB8] =	sst s9;
	s0 =	simm.s32 @!p0 $0x0  }
0x12: {  	s1 =	sld [smem:$0x3F9E];
	s0 =	simm.s32 @p0 $0x1  }
0x13: {  	[smem:$0x3FB9] =	sst s0;
	s0 =	simm.s32 @!p1 $0x0  }
0x14: {  	s2 =	sld [smem:$0x3F9D];
	s0 =	simm.s32 @p1 $0x1  }
0x15: {  	[smem:$0x3FBA] =	sst s0;
	s0 =	simm.s32 @!p2 $0x0  }
0x16: {  	s3 =	sld [smem:$0x3FDB];
	s0 =	simm.s32 @p2 $0x1  }
0x17: {  	s4 =	simm.s32 $0x1BF5;
	[smem:$0x3FBC] =	sst s0  }
0x18: {  	s0 =	sld [smem:$0x3F9F];
	_ =	swait.ge [sflag:s4], $0x0  }
0x19: {  	s7 =	sld [smem:$0x3FA0]  }
0x1a: {  	s8 =	sadd.s32 $0xFFFFE003, lr  }
0x1b: {  	s9 =	sadd.s32 $0xFFFFFEF7, lr;
	s5 =	simm.s32 $0xFFFFFFFF;
	p2 =	slt.u32 s8, $0xFFFFF086  }
0x1c: {  	p1 =	slt.u32 s9, $0xF7A;
	s5 =	simm.s32 @!p2 $0x0  }
0x1d: {  	s5 =	simm.s32 @p1 $0x1;
	p0 =	seq.s32 s7, s2  }
0x1e: {  	s7 =	smul.u32 @!p0 $0xF7A, s2;
	p2 =	seq.s32 @!p0 s5, $0x0  }
0x1f: {  	s9 =	smul.u32 $0xF7A, s1;
	s8 =	simm.s32 @!p0 $0x1BF5;
	p2 =	por !p2, p0  }
0x20: {  	[sflag:s8] =	ssyncset.s32 @!p0 $0xFFFFF086;
	s6 =	sadd.s32 @!p0 s3, s7;
	s7 =	simm.s32 @!p0 $0x108  }
0x21: {  	s3 =	sadd.s32 s3, s9;
	s6 =	sadd.s32 @!p0 $0x88, s6;
	s7 =	simm.s32 @p2 $0x1082  }
0x22: {  	[simem:s7], [sflag:s8] =	dma.local @!p0 [hbm:s6], $0xF7A  }
0x23: {  	s9 =	sor.u32 $0xD0000000, s2;
	s6 =	simm.s32 $0x108;
	_ =	swait.ge @!p0 [sflag:s8], $0x0  }
0x24: {  	s3 =	sadd.s32 $0x88, s3;
	s6 =	simm.s32 @!p1 $0x1082;
	[sflag:s4] =	ssyncset.s32 $0xFFFFF086  }
0x25: {  	[simem:s6], [sflag:s4] =	dma.local [hbm:s3], $0xF7A  }
0x26: {  	[smem:$0x3FA0] =	sst s1;
	(tag) =	ssettag s2;
	_ =	strace s9  }
0x27: {  	s1 =	sld [smem:$0x3FB0]  }
0x28: {  	s2 =	sld [smem:$0x3FB1]  }
0x29: {  	s4 =	sld [smem:$0x3FB3]  }
0x2a: {  	p0 =	seq.s32 s5, $0x0;
	s5 =	sld [smem:$0x3FB4]  }
0x2b: {  	s6 =	sld [smem:$0x3FB5]  }
0x2c: {  	s7 =	sld [smem:$0x3FB6]  }
0x2d: {  	s3 =	simm.s32 $0x108;
	s8 =	sld [smem:$0x3FB7]  }
0x2e: {  	s3 =	simm.s32 @!p0 $0x1082;
	s9 =	sld [smem:$0x3FB8]  }
0x2f: {  	lr =	sadd.s32 s0, s3;
	s0 =	sld [smem:$0x3FAF]  }
0x30: {  	s3 =	sld [smem:$0x3FB2]  }
0x31: {  	[smem:$0x3FBB] =	sst s10  }
0x32: {  	s10 =	sld [smem:$0x3FB9];
	_ =	sdelay $0x3  }
0x33: {  	p0 =	seq.s32 s10, $0x1;
	s10 =	sld [smem:$0x3FBB];
	_ =	sdelay $0x3  }
0x34: {  	[smem:$0x3FBB] =	sst s10  }
0x35: {  	s10 =	sld [smem:$0x3FBA];
	_ =	sdelay $0x3  }
0x36: {  	p1 =	seq.s32 s10, $0x1;
	s10 =	sld [smem:$0x3FBB];
	_ =	sdelay $0x3  }
0x37: {  	[smem:$0x3FBB] =	sst s10  }
0x38: {  	s10 =	sld [smem:$0x3FBC]  }
0x39: {  	_ = 	snop;
	(pc) =	sbr.ind lr, $3  }
0x3a: {  	_ = 	snop  }
0x3b: {  	_ = 	snop  }
0x3c: {  	p2 =	seq.s32 s10, $0x1;
	s10 =	sld [smem:$0x3FBB]  }
0x3d: {  	_ =	shalt  }
0x3e: {  	_ =	shalt  }
0x3f: {  	_ =	shalt  }
0x40: {  	_ =	shalt  }
0x41: {  	_ =	shalt  }
0x42: {  	_ =	shalt  }
0x43: {  	_ =	shalt  }
0x44: {  	_ =	shalt  }
0x45: {  	_ =	shalt  }
0x46: {  	_ =	shalt  }
0x47: {  	_ =	shalt  }
0x48: {  	_ =	shalt  }
0x49: {  	_ =	shalt  }
0x4a: {  	_ =	shalt  }
0x4b: {  	_ =	shalt  }
0x4c: {  	_ =	shalt  }
0x4d: {  	_ =	shalt  }
0x4e: {  	_ =	shalt  }
0x4f: {  	_ =	shalt  }
0x50: {  	_ =	shalt  }
0x51: {  	_ =	shalt  }
0x52: {  	_ =	shalt  }
0x53: {  	_ =	shalt  }
0x54: {  	_ =	shalt  }
0x55: {  	_ =	shalt  }
0x56: {  	_ =	shalt  }
0x57: {  	_ =	shalt  }
0x58: {  	_ =	shalt  }
0x59: {  	_ =	shalt  }
0x5a: {  	_ =	shalt  }
0x5b: {  	_ =	shalt  }
0x5c: {  	_ =	shalt  }
0x5d: {  	_ =	shalt  }
0x5e: {  	_ =	shalt  }
0x5f: {  	_ =	shalt  }
0x60: {  	_ =	shalt  }
0x61: {  	_ =	shalt  }
0x62: {  	_ =	shalt  }
0x63: {  	_ =	shalt  }
0x64: {  	_ =	shalt  }
0x65: {  	_ =	shalt  }
0x66: {  	_ =	shalt  }
0x67: {  	_ =	shalt  }
0x68: {  	_ =	shalt  }
0x69: {  	_ =	shalt  }
0x6a: {  	_ =	shalt  }
0x6b: {  	_ =	shalt  }
0x6c: {  	_ =	shalt  }
0x6d: {  	_ =	shalt  }
0x6e: {  	_ =	shalt  }
0x6f: {  	_ =	shalt  }
0x70: {  	_ =	shalt  }
0x71: {  	_ =	shalt  }
0x72: {  	_ =	shalt  }
0x73: {  	_ =	shalt  }
0x74: {  	_ =	shalt  }
0x75: {  	_ =	shalt  }
0x76: {  	_ =	shalt  }
0x77: {  	_ =	shalt  }
0x78: {  	_ =	shalt  }
0x79: {  	_ =	shalt  }
0x7a: {  	_ =	shalt  }
0x7b: {  	_ =	shalt  }
0x7c: {  	_ =	shalt  }
0x7d: {  	_ =	shalt  }
0x7e: {  	_ =	shalt  }
0x7f: {  	_ =	shalt  }
0x80: {  	_ =	shalt  }
0x81: {  	_ =	shalt  }
0x82: {  	_ =	shalt  }
0x83: {  	_ =	shalt  }
0x84: {  	_ =	shalt  }
0x85: {  	_ =	shalt  }
0x86: {  	_ =	shalt  }
0x87: {  	_ =	shalt  }
.Lfunc_end0:
.L_simem_size_0:
called_computation_lowered:
.L_overlay_start_0:
0x88: {  	s2 =	sld [smem:$0x3FD9]  }
0x89: {  	s3 =	sld [smem:$0x3FFE];
	_ =	sdelay $0x1  }
0x8a: {  	s1 =	srdreg.scid  }
0x8b: {  	s0 =	sand.u32 $0x1, s1  }
0x8c: {  	s17 =	sshll.u32 s0, $0xA;
	s2 =	sadd.s32 s3, s2  }
0x8d: {  	s2 =	sadd.s32 s2, s17  }
0x8e: {  	[smem:$0x3FC7] =	sst s2  }
0x8f: {  	_ = 	snop  }
0x90: {  	s2 =	sld [smem:$0x3FC9];
	(tm) =	ssettm $0x1  }
0x91: {  	s18 =	sld [smem:$0x3FFB];
	_ =	sdelay $0x3  }
0x92: {  	_ =	strace s18  }
0x93: {  	s3 =	sld [smem:$0x3FFC];
	_ =	sdelay $0x3  }
0x94: {  	_ =	strace s3  }
0x95: {  	s3 =	sld [smem:$0x3FFD];
	_ =	sdelay $0x3  }
0x96: {  	_ =	strace s3  }
0x97: {  	_ =	strace $0x8FFFFFFF  }
0x98: {  	s19 =	sld [smem:$0x3FDB];
	_ =	sdelay $0x1  }
0x99: {  	s4 =	simm.s32 $_scs_section_size  }
0x9a: {  	s5 =	simm.s32 $_size__tile_overlayer_lowered;
	s6 =	simm.s32 $_tile_overlayer_lowered  }
0x9b: {  	s22 =	simm.s32 $0x1BFF;
	s21 =	sshll.u32 s6, $0x1;
	s3 =	sadd.s32 s4, s19  }
0x9c: {  	s7 =	simm.s32 $0x0;
	s20 =	sshll.u32 s5, $0x1;
	s5 =	sadd.s32 s21, s3  }
0x9d: {  	[timem:s7], [sflag:s22] =	dma.local [hbm:s5], s20  }
0x9e: {  	_ =	swait.ge [sflag:s22], s20  }
0x9f: {  	s4 =	ssub.s32 $0x0, s20;
	[sflag:s22] =	ssyncset.done $0x0  }
0xa0: {  	[sflag:s22] =	ssyncadd.s32 s4;
	_ =	sdelay $0x1  }
0xa1: {  	s23 =	simm.s32 $0x1B8B  }
0xa2: {  	_ =	swait.ge [sflag:s23], $0x1  }
0xa3: {  	[sflag:s23] =	ssyncset.done $0x0  }
0xa4: {  	s25 =	simm.s32 $0x1B8E;
	s24 =	sld [smem:$0x3FFE];
	[sflag:s23] =	ssyncadd.s32 $0xFFFFFFFF  }
0xa5: {  	s26 =	simm.s32 $execute0_lowered;
	[smem:$0x3FD2] =	sst s25  }
0xa6: {  	s5 =	sshll.u32 s26, $0x1;
	_ =	strace $0x80000046;
	[dreg:$0x1] =	wrdreg $0xFFFFFFFF  }
0xa7: {  	s28 =	simm.s32 $_size_execute0_lowered;
	s3 =	sadd.s32 s3, s5;
	[dreg:$0x0] =	wrdreg $0x0  }
0xa8: {  	s5 =	sshll.u32 s28, $0x1;
	[dreg:$0x2] =	wrdreg s3  }
0xa9: {  	[dreg:$0x3] =	wrdreg s5  }
0xaa: {  	[dreg:$0x4] =	wrdreg $0xC0  }
0xab: {  	_ =	task [dreg:s7], $0x5FFFF  }
0xac: {  	[dreg:$0x1] =	wrdreg $0xFFFFFFFF  }
0xad: {  	[dreg:$0x0] =	wrdreg $0x60  }
0xae: {  	[dreg:$0x2] =	wrdreg s2  }
0xaf: {  	[dreg:$0x3] =	wrdreg s24  }
0xb0: {  	[dreg:$0x4] =	wrdreg $0x9  }
0xb1: {  	_ =	task.clear_ibuf [dreg:s7], $0x5FFFF;
	_ =	strace $0x90000046  }
0xb2: {  	s29 =	simm.s32 $0x9;
	_ =	strace $0x80000048  }
0xb3: {  	_ =	swait.ge [sflag:s29], $0x1  }
0xb4: {  	[sflag:s29] =	ssyncadd.s32 $0xFFFFFFFF  }
0xb5: {  	_ =	strace $0x90000048  }
0xb6: {  	_ =	sfence  }
0xb7: {  	s30 =	sld [smem:$0x0];
	_ =	sdelay $0x2  }
0xb8: {  	s31 =	sshll.u32 s1, $0xD;
	s1 =	sshrl.u32 s1, $0x2  }
0xb9: {  	s3 =	sand.u32 $0x4000, s31;
	s1 =	sadd.s32 s1, s30  }
0xba: {  	s0 =	sor.u32 s3, s0;
	s1 =	sshll.u32 s1, $0x11  }
0xbb: {  	s0 =	sor.u32 s1, s0  }
0xbc: {  	s0 =	sadd.s32 $0x8F2B, s0  }
0xbd: {  	[sflag:s0] =	ssyncadd.remote.s32 $0x1  }
0xbe: {  	_ =	sfence.sel $0xFFFF  }
0xbf: {  	[dreg:$0x0] =	wrdreg $0xFFFFFFFF;
	(pc) =	sbr.abs _section_cstart, $3  }
0xc0: {  	[dreg:$0x1] =	wrdreg $0xFFFFFFFF  }
0xc1: {  	_ =	task.clear_ibuf [dreg:s7], $0x2FFFF;
	_ =	strace $0x9FFFFFFF  }
0xc2: {  	(tm) =	ssettm $0x7FFFFFFF  }
0xc3: {  	_ =	shalt  }
tec
execute0_lowered:
.L_overlay_start_1:
0x0: {  	(tag) =	ssettag $0x1  }
0x1: {  	s3 =	rddreg [dreg:$0x0]  }
0x2: {  	s4 =	rddreg [dreg:$0x1]  }
0x3: {  	s2 =	srdreg.scid;
	s1 =	stileid.u32  }
0x4: {  	s0 =	rddreg [dreg:$0x2];
	s9 =	simm.s32 $0x400;
	s10 =	simm.s32 $0x2000  }
0x5: {  	s11 =	simm.s32 $0x4000;
	s12 =	simm.s32 $0x1;
	s13 =	simm.s32 $0x2  }
0x6: {  	s14 =	simm.s32 $0x6000;
	s15 =	simm.s32 $0x3;
	s16 =	simm.s32 $0x0  }
0x7: {  	s5 =	sand.u32 $0x1, s2;
	s29 =	sshll.u32 s1, $0x5;
	s6 =	sshll.u32 s1, $0xB  }
0x8: {  	s2 =	simm.s32 $0x0;
	s7 =	sshll.u32 s5, $0x4;
	s8 =	sand.u32 $0x60, s29  }
0x9: {  	s6 =	sand.u32 $0x6000, s6;
	[smem:$0x7FF] =	sst s2;
	s7 =	sor.u32 s7, s8  }
0xa: {  	v0 =	vlaneseq.u32;
	s5 =	ssub.s32 $0x2, s5;
	_ =	strace $0x80000047;
	s6 =	sor.u32 s6, s7  }
0xb: {  	v1 =	vor.u32 $0x10, v0;
	s30 =	sshrl.u32 s5, $0x1;
	s8 =	simm.s32 $0x80;
	s7 =	sadd.s32 s6, s4  }
0xc: {  	v2 =	vor.u32 $0x20, v0;
	v3 =	vor.u32 $0x30, v0;
	v4 =	vor.u32 $0x40, v0;
	s31 =	ssub.s32 s5, s30;
	s3 =	sadd.s32 s3, s6;
	s4 =	sadd.s32 $0x10A00, s7  }
0xd: {  	v5 =	vor.u32 $0x50, v0;
	v6 =	vor.u32 $0x60, v0;
	v7 =	vor.u32 $0x70, v0;
	s5 =	sadd.s32 $0xA00, s7;
	s6 =	sadd.s32 $0x20A00, s7;
	s7 =	smax.u32 s31, $0x1  }
.LBB2_1:
0xe: {  	[tilespmem:s2], [sflag:$0x1] =	stream.strided.gather [hbm4b:s3+s8], $0x2000, s9, s8, $0x38;
	[tilespmem:$0x8000] =	vst v63  }
0xf: {  	_ = 	snop  }
0x10: {  	[tilespmem:s10], [sflag:$0x2] =	stream.strided.gather [hbm4b:s4+s8], $0x2000, s9, s8, $0x38;
	[tilespmem:$0x8000] =	vst v63  }
0x11: {  	_ = 	snop  }
0x12: {  	[tilespmem:s11], [sflag:$0x2] =	stream.strided.gather [hbm4b:s5+s8], $0x2000, s9, s8, $0x38;
	[tilespmem:$0x8000] =	vst v63  }
0x13: {  	_ =	swait.ge [sflag:s12], $0x2000  }
0x14: {  	[sflag:s12] =	ssyncset.done $0x0  }
0x15: {  	[sflag:s12] =	ssyncadd.s32 $0xFFFFE000  }
0x16: {  	_ =	swait.ge [sflag:s13], $0x2000  }
0x17: {  	[sflag:s13] =	ssyncset.done $0x0  }
0x18: {  	[sflag:s13] =	ssyncadd.s32 $0xFFFFE000  }
0x19: {  	_ =	swait.ge [sflag:s13], $0x2000  }
0x1a: {  	[sflag:s13] =	ssyncset.done $0x0  }
0x1b: {  	s17 =	simm.s32 $0x40;
	[sflag:s13] =	ssyncadd.s32 $0xFFFFE000  }
0x1c: {  	v8 =	vld [tilespmem:s17+$0xFFFFFFC0]  }
0x1d: {  	v9 =	vld [tilespmem:s17+$0xFFFFFFD0]  }
0x1e: {  	v10 =	vld [tilespmem:s17+$0xFFFFFFE0]  }
0x1f: {  	v11 =	vld [tilespmem:s17+$0xFFFFFFF0]  }
0x20: {  	v12 =	vld [tilespmem:s17+$0x0]  }
0x21: {  	v13 =	vld [tilespmem:s17+$0x10]  }
0x22: {  	v14 =	vld [tilespmem:s17+$0x20];
	_ =	sdelay $0x1  }
0x23: {  	v17 =	vimm.f32 $-Inf;
	s18 =	simm.s32 $0xC0;
	v20 =	vld [tilespmem:s17+$0x30]  }
0x24: {  	v23 =	vimm.s32 $0x0;
	v30 =	vld [tilespmem:s18+$0xFFFFFFC0];
	vm0 =	vgt.f32 v8, v17;
	vm1 =	vgt.f32 v9, v17  }
0x25: {  	v22 =	vld [tilespmem:s18+$0xFFFFFFD0];
	vm2 =	vgt.f32 v10, v17;
	vm3 =	vgt.f32 v11, v17;
	vm4 =	vgt.f32 v12, v17  }
0x26: {  	v29 =	vld [tilespmem:s18+$0xFFFFFFE0];
	vm5 =	vgt.f32 v13, v17;
	vm6 =	vgt.f32 v14, v17;
	v25 =	vsel vm0, v8, v17  }
0x27: {  	v18 =	vld [tilespmem:s18+$0xFFFFFFF0];
	v27 =	vsel vm0, s2, v23;
	v24 =	vsel vm1, v9, v17;
	v21 =	vsel vm2, v10, v17  }
0x28: {  	v16 =	vld [tilespmem:s18+$0x0];
	v19 =	vsel vm3, v11, v17;
	v15 =	vsel vm4, v12, v17;
	vm0 =	vgt.f32 v20, v17  }
0x29: {  	v12 =	vld [tilespmem:s18+$0x10];
	v13 =	vsel vm5, v13, v17;
	v9 =	vsel vm6, v14, v17;
	v31 =	vsel vm1, s2, v23  }
0x2a: {  	s19 =	simm.s32 $0x2;
	v11 =	vld [tilespmem:s18+$0x20];
	v28 =	vsel vm2, s2, v23;
	v26 =	vsel vm3, s2, v23;
	v14 =	vsel vm6, s2, v23  }
0x2b: {  	s20 =	simm.s32 $0x0;
	s17 =	simm.s32 $0x1;
	v10 =	vld [tilespmem:s18+$0x30];
	s18 =	simm.s32 $0x140;
	v8 =	vsel vm0, v20, v17;
	v20 =	vsel vm4, s2, v23;
	v17 =	vsel vm5, s2, v23  }
.LBB2_2:
0x2c: {  	v32 =	vld [tilespmem:s18+$0xFFFFFFC0];
	p0 =	sne.s32 s19, $0x3F;
	vm1 =	vgt.f32 v30, v25;
	vm2 =	vgt.f32 v22, v24;
	v23 =	vsel vm0, s20, v23;
	s20 =	smov.u32 s17;
	s17 =	smov.u32 s19  }
0x2d: {  	v25 =	vsel vm1, v30, v25;
	v27 =	vsel vm1, s20, v27;
	v24 =	vsel vm2, v22, v24;
	v22 =	vld [tilespmem:s18+$0xFFFFFFD0]  }
0x2e: {  	vm3 =	vgt.f32 v18, v19;
	vm1 =	vgt.f32 v29, v21;
	vm4 =	vgt.f32 v16, v15;
	v33 =	vld [tilespmem:s18+$0xFFFFFFE0]  }
.Ltmp0:
0x2f: {  	v19 =	vsel vm3, v18, v19;
	v21 =	vsel vm1, v29, v21;
	v15 =	vsel vm4, v16, v15;
	v18 =	vld [tilespmem:s18+$0xFFFFFFF0];
	(pc) =	sbr.rel @p0 .LBB2_2-.Ltmp0, $4  }
0x30: {  	vm5 =	vgt.f32 v12, v13;
	vm6 =	vgt.f32 v11, v9;
	v16 =	vld [tilespmem:s18+$0x0];
	vm0 =	vgt.f32 v10, v8  }
0x31: {  	v13 =	vsel vm5, v12, v13;
	v9 =	vsel vm6, v11, v9;
	v12 =	vld [tilespmem:s18+$0x10];
	v8 =	vsel vm0, v10, v8;
	v30 =	vmovc v32  }
0x32: {  	v31 =	vsel vm2, s20, v31;
	v26 =	vsel vm3, s20, v26;
	v28 =	vsel vm1, s20, v28;
	v11 =	vld [tilespmem:s18+$0x20]  }
0x33: {  	s19 =	sadd.s32 $0x1, s19;
	v20 =	vsel vm4, s20, v20;
	v17 =	vsel vm5, s20, v17;
	v14 =	vsel vm6, s20, v14;
	v10 =	vld [tilespmem:s18+$0x30];
	s18 =	sadd.s32 $0x80, s18;
	v29 =	vmovc v33  }
0x34: {  	vm1 =	vgt.f32 v30, v25;
	vm2 =	vgt.f32 v22, v24  }
0x35: {  	v23 =	vsel vm0, s20, v23;
	v27 =	vsel vm1, s17, v27;
	v31 =	vsel vm2, s17, v31  }
0x36: {  	v25 =	vsel vm1, v30, v25;
	v27 =	vshll.u32 v27, $0x7;
	v30 =	vshll.u32 v31, $0x7  }
0x37: {  	v22 =	vsel vm2, v22, v24;
	v24 =	vor.u32 v0, v27;
	v27 =	vor.u32 v1, v30  }
0x38: {  	vm15 =	vgt.f32 v29, v21;
	vm1 =	veq.f32 v22, v25;
	vm6 =	vlt.s32 v27, v24  }
0x39: {  	v28 =	vsel vm15, s17, v28;
	vm3 =	vgt.f32 v22, v25;
	vm1 =	vmand vm1, vm6  }
0x3a: {  	v21 =	vsel vm15, v29, v21;
	v28 =	vshll.u32 v28, $0x7;
	vm7 =	vmor vm3, vm1  }
0x3b: {  	v22 =	vsel vm7, v22, v25;
	v24 =	vsel vm7, v27, v24;
	v25 =	vor.u32 v2, v28  }
0x3c: {  	vm8 =	vgt.f32 v18, v19;
	vm9 =	veq.f32 v21, v22;
	vm10 =	vlt.s32 v25, v24  }
0x3d: {  	v26 =	vsel vm8, s17, v26;
	vm11 =	vgt.f32 v21, v22;
	vm1 =	vmand vm9, vm10  }
0x3e: {  	v18 =	vsel vm8, v18, v19;
	v19 =	vshll.u32 v26, $0x7;
	vm12 =	vmor vm11, vm1  }
0x3f: {  	v19 =	vor.u32 v3, v19;
	v21 =	vsel vm12, v21, v22;
	v22 =	vsel vm12, v25, v24  }
0x40: {  	vm13 =	vgt.f32 v16, v15;
	vm14 =	veq.f32 v18, v21;
	vm15 =	vlt.s32 v19, v22  }
0x41: {  	v20 =	vsel vm13, s17, v20;
	vm6 =	vgt.f32 v18, v21;
	vm1 =	vmand vm14, vm15  }
0x42: {  	v15 =	vsel vm13, v16, v15;
	v16 =	vshll.u32 v20, $0x7;
	vm7 =	vmor vm6, vm1  }
0x43: {  	v16 =	vor.u32 v4, v16;
	v18 =	vsel vm7, v18, v21;
	v19 =	vsel vm7, v19, v22  }
0x44: {  	vm8 =	vgt.f32 v12, v13;
	vm9 =	veq.f32 v15, v18;
	vm10 =	vlt.s32 v16, v19  }
0x45: {  	v17 =	vsel vm8, s17, v17;
	vm11 =	vgt.f32 v15, v18;
	vm1 =	vmand vm9, vm10  }
0x46: {  	v12 =	vsel vm8, v12, v13;
	v13 =	vshll.u32 v17, $0x7;
	vm12 =	vmor vm11, vm1  }
0x47: {  	v13 =	vor.u32 v5, v13;
	v15 =	vsel vm12, v15, v18;
	v16 =	vsel vm12, v16, v19  }
0x48: {  	vm13 =	vgt.f32 v11, v9;
	vm14 =	veq.f32 v12, v15;
	vm15 =	vlt.s32 v13, v16  }
0x49: {  	v14 =	vsel vm13, s17, v14;
	vm6 =	vgt.f32 v12, v15;
	vm1 =	vmand vm14, vm15  }
0x4a: {  	v9 =	vsel vm13, v11, v9;
	v11 =	vshll.u32 v14, $0x7;
	vm7 =	vmor vm6, vm1  }
0x4b: {  	v11 =	vor.u32 v6, v11;
	v12 =	vsel vm7, v12, v15;
	v13 =	vsel vm7, v13, v16  }
0x4c: {  	vm8 =	vgt.f32 v10, v8;
	vm9 =	veq.f32 v9, v12;
	vm10 =	vlt.s32 v11, v13  }
0x4d: {  	v14 =	vsel vm8, s17, v23;
	vm11 =	vgt.f32 v9, v12;
	vm1 =	vmand vm9, vm10  }
0x4e: {  	v8 =	vsel vm8, v10, v8;
	v10 =	vshll.u32 v14, $0x7;
	vm12 =	vmor vm11, vm1  }
0x4f: {  	v10 =	vor.u32 v7, v10;
	v9 =	vsel vm12, v9, v12;
	v11 =	vsel vm12, v11, v13  }
0x50: {  	vm13 =	veq.f32 v8, v9;
	vm14 =	vlt.s32 v10, v11  }
0x51: {  	vm15 =	vgt.f32 v8, v9;
	vm0 =	vmand vm13, vm14  }
0x52: {  	vm0 =	vmor vm15, vm0  }
0x53: {  	v9 =	vsel vm0, v8, v9  }
0x54: {  	v8 =	vsel vm0, v10, v11;
	(v2sf) =	vpush v9, $0x0  }
0x55: {  	(v2sf) =	vpush v8, $0x0;
	_ =	sdelay $0x1  }
0x56: {  	(v2sf) =	vpush v9, $0x1  }
0x57: {  	(v2sf) =	vpush v8, $0x1;
	_ =	sdelay $0x4  }
0x58: {  	(v2sf) =	vpush v9, $0x2  }
0x59: {  	(v2sf) =	vpush v8, $0x2;
	_ =	sdelay $0x4  }
0x5a: {  	s19 =	spop (v2sf);
	(v2sf) =	vpush v9, $0x3  }
0x5b: {  	s17 =	spop (v2sf);
	(v2sf) =	vpush v8, $0x3;
	_ =	sdelay $0x1  }
0x5c: {  	s18 =	spop (v2sf)  }
0x5d: {  	s20 =	spop (v2sf);
	p0 =	seq.f32 s18, s19  }
0x5e: {  	p1 =	slt.s32 s20, s17  }
0x5f: {  	(v2sf) =	vpush v9, $0x4;
	p2 =	sgt.f32 s18, s19;
	p0 =	por !p0, !p1  }
0x60: {  	p0 =	por !p0, !p0  }
0x61: {  	p0 =	por p2, p0  }
0x62: {  	(v2sf) =	vpush v8, $0x4;
	s19 =	smov.u32 @p0 s18;
	s18 =	spop (v2sf)  }
0x63: {  	s17 =	smov.u32 @p0 s20;
	s20 =	spop (v2sf);
	p1 =	seq.f32 s18, s19  }
0x64: {  	p2 =	slt.s32 s20, s17  }
0x65: {  	p3 =	sgt.f32 s18, s19;
	p0 =	por !p1, !p2  }
0x66: {  	p0 =	por !p0, !p0  }
0x67: {  	(v2sf) =	vpush v9, $0x5;
	p0 =	por p3, p0  }
0x68: {  	(v2sf) =	vpush v8, $0x5;
	s19 =	smov.u32 @p0 s18;
	s18 =	spop (v2sf)  }
0x69: {  	s17 =	smov.u32 @p0 s20;
	s20 =	spop (v2sf);
	p4 =	seq.f32 s18, s19  }
0x6a: {  	p5 =	slt.s32 s20, s17  }
0x6b: {  	p6 =	sgt.f32 s18, s19;
	p0 =	por !p4, !p5  }
0x6c: {  	p0 =	por !p0, !p0  }
0x6d: {  	(v2sf) =	vpush v9, $0x6;
	p0 =	por p6, p0  }
0x6e: {  	s19 =	smov.u32 @p0 s18;
	s18 =	spop (v2sf);
	(v2sf) =	vpush v8, $0x6;
	_ =	sdelay $0x2  }
0x6f: {  	s17 =	smov.u32 @p0 s20;
	s20 =	spop (v2sf);
	p1 =	seq.f32 s18, s19  }
0x70: {  	p2 =	slt.s32 s20, s17  }
0x71: {  	p3 =	sgt.f32 s18, s19;
	(v2sf) =	vpush v9, $0x7;
	p0 =	por !p1, !p2  }
0x72: {  	p0 =	por !p0, !p0  }
0x73: {  	p0 =	por p3, p0  }
0x74: {  	s19 =	smov.u32 @p0 s18;
	s18 =	spop (v2sf);
	(v2sf) =	vpush v8, $0x7  }
0x75: {  	s17 =	smov.u32 @p0 s20;
	s20 =	spop (v2sf);
	p4 =	seq.f32 s18, s19  }
0x76: {  	p5 =	slt.s32 s20, s17  }
0x77: {  	p6 =	sgt.f32 s18, s19;
	p0 =	por !p4, !p5  }
0x78: {  	p0 =	por !p0, !p0  }
0x79: {  	(v2sf) =	vpush v9, $0x8;
	p0 =	por p6, p0  }
0x7a: {  	s19 =	smov.u32 @p0 s18;
	s18 =	spop (v2sf);
	(v2sf) =	vpush v8, $0x8  }
0x7b: {  	s17 =	smov.u32 @p0 s20;
	p1 =	seq.f32 s18, s19;
	s20 =	spop (v2sf)  }
0x7c: {  	p2 =	slt.s32 s20, s17  }
0x7d: {  	p3 =	sgt.f32 s18, s19;
	p0 =	por !p1, !p2  }
0x7e: {  	p0 =	por !p0, !p0  }
0x7f: {  	(v2sf) =	vpush v9, $0x9;
	p0 =	por p3, p0  }
0x80: {  	s19 =	smov.u32 @p0 s18;
	s18 =	spop (v2sf);
	(v2sf) =	vpush v8, $0x9;
	_ =	sdelay $0x2  }
0x81: {  	s17 =	smov.u32 @p0 s20;
	s20 =	spop (v2sf);
	p4 =	seq.f32 s18, s19  }
0x82: {  	p5 =	slt.s32 s20, s17  }
0x83: {  	p6 =	sgt.f32 s18, s19;
	(v2sf) =	vpush v9, $0xA;
	p0 =	por !p4, !p5  }
0x84: {  	p0 =	por !p0, !p0  }
0x85: {  	p0 =	por p6, p0  }
0x86: {  	s19 =	smov.u32 @p0 s18;
	s18 =	spop (v2sf);
	(v2sf) =	vpush v8, $0xA  }
0x87: {  	s17 =	smov.u32 @p0 s20;
	s20 =	spop (v2sf);
	p1 =	seq.f32 s18, s19  }
0x88: {  	p2 =	slt.s32 s20, s17  }
0x89: {  	p3 =	sgt.f32 s18, s19;
	p0 =	por !p1, !p2  }
0x8a: {  	p0 =	por !p0, !p0  }
0x8b: {  	(v2sf) =	vpush v9, $0xB;
	p0 =	por p3, p0  }
0x8c: {  	s19 =	smov.u32 @p0 s18;
	s18 =	spop (v2sf);
	(v2sf) =	vpush v8, $0xB  }
0x8d: {  	s17 =	smov.u32 @p0 s20;
	p4 =	seq.f32 s18, s19;
	s20 =	spop (v2sf)  }
0x8e: {  	p5 =	slt.s32 s20, s17  }
0x8f: {  	p6 =	sgt.f32 s18, s19;
	p0 =	por !p4, !p5  }
0x90: {  	p0 =	por !p0, !p0  }
0x91: {  	(v2sf) =	vpush v9, $0xC;
	p0 =	por p6, p0  }
0x92: {  	s19 =	smov.u32 @p0 s18;
	s18 =	spop (v2sf);
	(v2sf) =	vpush v8, $0xC;
	_ =	sdelay $0x2  }
0x93: {  	s17 =	smov.u32 @p0 s20;
	s20 =	spop (v2sf);
	p1 =	seq.f32 s18, s19  }
0x94: {  	p2 =	slt.s32 s20, s17  }
0x95: {  	p3 =	sgt.f32 s18, s19;
	(v2sf) =	vpush v9, $0xD;
	p0 =	por !p1, !p2  }
0x96: {  	(v2sf) =	vpush v8, $0xD;
	p0 =	por !p0, !p0  }
0x97: {  	p0 =	por p3, p0  }
0x98: {  	s19 =	smov.u32 @p0 s18;
	s18 =	spop (v2sf)  }
0x99: {  	s17 =	smov.u32 @p0 s20;
	s20 =	spop (v2sf);
	p4 =	seq.f32 s18, s19  }
0x9a: {  	p5 =	slt.s32 s20, s17  }
0x9b: {  	(v2sf) =	vpush v9, $0xE;
	p6 =	sgt.f32 s18, s19;
	p0 =	por !p4, !p5  }
0x9c: {  	(v2sf) =	vpush v8, $0xE;
	p0 =	por !p0, !p0  }
0x9d: {  	p0 =	por p6, p0  }
0x9e: {  	s19 =	smov.u32 @p0 s18;
	s18 =	spop (v2sf)  }
0x9f: {  	s17 =	smov.u32 @p0 s20;
	p1 =	seq.f32 s18, s19;
	s20 =	spop (v2sf)  }
0xa0: {  	p2 =	slt.s32 s20, s17  }
0xa1: {  	(v2sf) =	vpush v9, $0xF;
	p3 =	sgt.f32 s18, s19;
	p0 =	por !p1, !p2  }
0xa2: {  	(v2sf) =	vpush v8, $0xF;
	p0 =	por !p0, !p0  }
0xa3: {  	p0 =	por p3, p0  }
0xa4: {  	s21 =	spop (v2sf);
	s19 =	smov.u32 @p0 s18  }
0xa5: {  	s22 =	spop (v2sf);
	s17 =	smov.u32 @p0 s20;
	p4 =	seq.f32 s21, s19  }
0xa6: {  	p5 =	slt.s32 s22, s17  }
0xa7: {  	p6 =	sgt.f32 s21, s19;
	p0 =	por !p4, !p5  }
0xa8: {  	p0 =	por !p0, !p0  }
0xa9: {  	p0 =	por p6, p0  }
0xaa: {  	s18 =	spop (v2sf);
	s19 =	smov.u32 @p0 s21  }
0xab: {  	s20 =	spop (v2sf);
	s17 =	smov.u32 @p0 s22;
	p1 =	seq.f32 s18, s19  }
0xac: {  	p2 =	slt.s32 s20, s17  }
0xad: {  	p3 =	sgt.f32 s18, s19;
	p0 =	por !p1, !p2  }
0xae: {  	p0 =	por !p0, !p0  }
0xaf: {  	p0 =	por p3, p0  }
0xb0: {  	s21 =	spop (v2sf);
	s19 =	smov.u32 @p0 s18;
	s17 =	smov.u32 @p0 s20  }
0xb1: {  	s18 =	spop (v2sf);
	s20 =	simm.s32 $0x0;
	p4 =	seq.f32 s21, s19  }
0xb2: {  	p5 =	slt.s32 s18, s17;
	v9 =	vld [tilespmem:s20+$0x2070]  }
0xb3: {  	p6 =	sgt.f32 s21, s19;
	v10 =	vld [tilespmem:s20+$0x2000];
	p0 =	por !p4, !p5  }
0xb4: {  	v11 =	vld [tilespmem:s20+$0x4070];
	p0 =	por !p0, !p0  }
0xb5: {  	v12 =	vld [tilespmem:s20+$0x2010];
	p0 =	por p6, p0  }
0xb6: {  	v13 =	vld [tilespmem:s20+$0x2020];
	s19 =	smov.u32 @p0 s21  }
0xb7: {  	v14 =	vld [tilespmem:s20+$0x2030];
	v8 =	vmov s19  }
0xb8: {  	v15 =	vld [tilespmem:s20+$0x2040];
	v9 =	vmul.f32 v9, v8  }
0xb9: {  	v16 =	vld [tilespmem:s20+$0x2050]  }
0xba: {  	v17 =	vld [tilespmem:s20+$0x4000];
	v9 =	vadd.f32 v11, v9  }
0xbb: {  	v18 =	vld [tilespmem:s20+$0x4010]  }
0xbc: {  	v19 =	vld [tilespmem:s20+$0x4020];
	v9 =	vmul.f32 $1.442695020e+00, v9  }
0xbd: {  	v20 =	vld [tilespmem:s20+$0x4040]  }
0xbe: {  	v21 =	vld [tilespmem:s20+$0x4050];
	(erf) = vpow2.f32 v9  }
0xbf: {  	v22 =	vld [tilespmem:s20+$0x4060];
	s19 =	simm.s32 $0x80  }
0xc0: {  	v10 =	vmul.f32 v10, v8;
	v23 =	vld [tilespmem:s19+$0x2000]  }
0xc1: {  	v12 =	vmul.f32 v12, v8;
	v13 =	vmul.f32 v13, v8;
	v24 =	vld [tilespmem:s19+$0x2010]  }
0xc2: {  	v14 =	vmul.f32 v14, v8;
	v10 =	vadd.f32 v17, v10;
	v9 =	vld [tilespmem:s20+$0x4030]  }
0xc3: {  	v15 =	vmul.f32 v15, v8;
	v11 =	vld [tilespmem:s20+$0x2060];
	v12 =	vadd.f32 v18, v12;
	v13 =	vadd.f32 v19, v13  }
0xc4: {  	v16 =	vmul.f32 v16, v8;
	v17 =	vld [tilespmem:s19+$0x2070];
	v10 =	vmul.f32 $1.442695020e+00, v10  }
0xc5: {  	v25 =	vld [tilespmem:s19+$0x2030];
	v12 =	vmul.f32 $1.442695020e+00, v12;
	v13 =	vmul.f32 $1.442695020e+00, v13  }
0xc6: {  	v18 =	vld [tilespmem:s19+$0x4070];
	v27 =	vmul.f32 v23, v8;
	(erf) = vpow2.f32 v10  }
0xc7: {  	v29 =	vmul.f32 v24, v8;
	v9 =	vadd.f32 v9, v14;
	v19 =	vpop (erf);
	(erf) = vpow2.f32 v12  }
0xc8: {  	v10 =	vld [tilespmem:s19+$0x2020];
	v11 =	vmul.f32 v11, v8;
	v12 =	vadd.f32 v20, v15;
	[tilespmem:s20+$0x6070] =	vst v19;
	(erf) = vpow2.f32 v13  }
0xc9: {  	v17 =	vmul.f32 v17, v8;
	v9 =	vmul.f32 $1.442695020e+00, v9;
	v14 =	vld [tilespmem:s19+$0x2040]  }
0xca: {  	v11 =	vadd.f32 v22, v11;
	v15 =	vadd.f32 v21, v16;
	v13 =	vld [tilespmem:s19+$0x2050];
	v12 =	vmul.f32 $1.442695020e+00, v12  }
0xcb: {  	v17 =	vadd.f32 v18, v17;
	v18 =	vmul.f32 v25, v8;
	v16 =	vld [tilespmem:s19+$0x2060];
	(erf) = vpow2.f32 v9  }
0xcc: {  	v15 =	vmul.f32 $1.442695020e+00, v15;
	v26 =	vld [tilespmem:s19+$0x4000];
	(erf) = vpow2.f32 v12  }
0xcd: {  	v11 =	vmul.f32 $1.442695020e+00, v11;
	v20 =	vmul.f32 $1.442695020e+00, v17;
	v28 =	vld [tilespmem:s19+$0x4010]  }
0xce: {  	v22 =	vmul.f32 v10, v8;
	(erf) = vpow2.f32 v15  }
0xcf: {  	v10 =	vimm.f32 $0.0e+00;
	v24 =	vld [tilespmem:s19+$0x4020];
	v12 =	vpop (erf);
	(erf) = vpow2.f32 v20;
	v17 =	vmul.f32 v14, v8  }
0xd0: {  	v21 =	vld [tilespmem:s19+$0x4030];
	v9 =	vadd.f32 v19, v10;
	[tilespmem:s20+$0x6000] =	vst v12;
	v20 =	vmul.f32 v13, v8;
	v14 =	vpop (erf);
	(erf) = vpow2.f32 v11  }
0xd1: {  	v12 =	vadd.f32 v12, v10;
	v27 =	vadd.f32 v26, v27;
	v19 =	vmul.f32 v16, v8;
	v23 =	vld [tilespmem:s19+$0x4040];
	[tilespmem:s20+$0x6010] =	vst v14;
	v11 =	vpop (erf)  }
0xd2: {  	v28 =	vadd.f32 v28, v29;
	v16 =	vimm.f32 $0.0e+00;
	v13 =	vadd.f32 v14, v10;
	v26 =	vld [tilespmem:s19+$0x4050];
	[tilespmem:s20+$0x6020] =	vst v11  }
0xd3: {  	s22 =	simm.s32 $0x600;
	s21 =	simm.s32 $0x100;
	v14 =	vimm.f32 $0.0e+00;
	v15 =	vadd.f32 v11, v10;
	v11 =	vimm.f32 $0.0e+00;
	v25 =	vld [tilespmem:s19+$0x4060]  }
.LBB2_4:
0xd4: {  	p1 =	sne.s32 s22, $0x7E00;
	v29 =	vld [tilespmem:s21+$0x2070];
	v27 =	vmul.f32 $1.442695020e+00, v27;
	v22 =	vadd.f32 v24, v22;
	v24 =	vpop (erf)  }
0xd5: {  	v30 =	vld [tilespmem:s21+$0x2000];
	v28 =	vmul.f32 $1.442695020e+00, v28;
	v18 =	vadd.f32 v21, v18;
	[tilespmem:s20+$0x6030] =	vst v24;
	v10 =	vadd.f32 v24, v10;
	v21 =	vpop (erf)  }
0xd6: {  	v24 =	vld [tilespmem:s21+$0x4070];
	v31 =	vmul.f32 $1.442695020e+00, v22;
	v17 =	vadd.f32 v23, v17;
	(erf) = vpow2.f32 v27;
	[tilespmem:s20+$0x6040] =	vst v21  }
0xd7: {  	v23 =	vld [tilespmem:s21+$0x2010];
	v18 =	vmul.f32 $1.442695020e+00, v18;
	v20 =	vadd.f32 v26, v20;
	(erf) = vpow2.f32 v28;
	v26 =	vpop (erf)  }
0xd8: {  	v27 =	vld [tilespmem:s21+$0x2020];
	v17 =	vmul.f32 $1.442695020e+00, v17;
	v19 =	vadd.f32 v25, v19;
	(erf) = vpow2.f32 v31;
	v22 =	vpop (erf);
	[tilespmem:s20+$0x6050] =	vst v26  }
0xd9: {  	v25 =	vld [tilespmem:s21+$0x2030];
	v28 =	vmul.f32 v29, v8;
	v20 =	vmul.f32 $1.442695020e+00, v20;
	[tilespmem:s19+$0x6070] =	vst v22;
	v9 =	vadd.f32 v22, v9;
	v22 =	vpop (erf)  }
0xda: {  	v16 =	vadd.f32 v21, v16;
	v29 =	vmul.f32 v30, v8;
	v30 =	vld [tilespmem:s21+$0x2040];
	v19 =	vmul.f32 $1.442695020e+00, v19;
	[tilespmem:s20+$0x6060] =	vst v22;
	s20 =	smov.u32 s19;
	s19 =	smov.u32 s21  }
0xdb: {  	v14 =	vadd.f32 v26, v14;
	v31 =	vld [tilespmem:s19+$0x2050];
	v21 =	vadd.f32 v24, v28;
	(erf) = vpow2.f32 v18  }
0xdc: {  	v11 =	vadd.f32 v22, v11;
	v28 =	vmul.f32 v23, v8;
	v26 =	vld [tilespmem:s19+$0x2060];
	(erf) = vpow2.f32 v17  }
0xdd: {  	v32 =	vld [tilespmem:s19+$0x4000];
	v22 =	vmul.f32 v27, v8;
	v21 =	vmul.f32 $1.442695020e+00, v21  }
0xde: {  	v33 =	vld [tilespmem:s19+$0x4010];
	v18 =	vmul.f32 v25, v8;
	(erf) = vpow2.f32 v20  }
.Ltmp1:
0xdf: {  	v24 =	vld [tilespmem:s19+$0x4020];
	v17 =	vmul.f32 v30, v8;
	(erf) = vpow2.f32 v21;
	v23 =	vpop (erf);
	(pc) =	sbr.rel @p1 .LBB2_4-.Ltmp1, $4  }
0xe0: {  	v21 =	vld [tilespmem:s19+$0x4030];
	v20 =	vmul.f32 v31, v8;
	[tilespmem:s20+$0x6000] =	vst v23;
	v12 =	vadd.f32 v23, v12;
	v25 =	vpop (erf);
	(erf) = vpow2.f32 v19  }
0xe1: {  	v23 =	vld [tilespmem:s19+$0x4040];
	v19 =	vmul.f32 v26, v8;
	[tilespmem:s20+$0x6010] =	vst v25;
	v13 =	vadd.f32 v25, v13;
	v25 =	vpop (erf)  }
0xe2: {  	v27 =	vadd.f32 v32, v29;
	v26 =	vld [tilespmem:s19+$0x4050];
	[tilespmem:s20+$0x6020] =	vst v25;
	v15 =	vadd.f32 v25, v15  }
0xe3: {  	s21 =	sshra.s32 s22, $0x2;
	s22 =	sadd.s32 $0x200, s22;
	v28 =	vadd.f32 v33, v28;
	v25 =	vld [tilespmem:s19+$0x4060]  }
0xe4: {  	v29 =	vld [tilespmem:s21+$0x2070];
	v30 =	vpop (erf);
	v27 =	vmul.f32 $1.442695020e+00, v27;
	v22 =	vadd.f32 v24, v22  }
0xe5: {  	v31 =	vld [tilespmem:s21+$0x2000];
	[tilespmem:s20+$0x6030] =	vst v30;
	v32 =	vpop (erf);
	v53 =	vmul.f32 $1.442695020e+00, v28  }
0xe6: {  	v33 =	vld [tilespmem:s21+$0x4070];
	[tilespmem:s20+$0x6040] =	vst v32;
	(erf) = vpow2.f32 v27;
	v22 =	vmul.f32 $1.442695020e+00, v22  }
0xe7: {  	v34 =	vld [tilespmem:s21+$0x2010];
	v35 =	vpop (erf);
	(erf) = vpow2.f32 v53  }
0xe8: {  	v18 =	vadd.f32 v21, v18;
	v36 =	vld [tilespmem:s21+$0x2020];
	[tilespmem:s20+$0x6050] =	vst v35;
	v27 =	vpop (erf);
	(erf) = vpow2.f32 v22  }
0xe9: {  	v17 =	vadd.f32 v23, v17;
	v54 =	vld [tilespmem:s21+$0x2030];
	[tilespmem:s19+$0x6070] =	vst v27;
	v24 =	vpop (erf);
	v57 =	vmul.f32 v29, v8  }
0xea: {  	v18 =	vmul.f32 $1.442695020e+00, v18;
	v37 =	vld [tilespmem:s21+$0x2040];
	[tilespmem:s20+$0x6060] =	vst v24  }
0xeb: {  	v17 =	vmul.f32 $1.442695020e+00, v17;
	v55 =	vld [tilespmem:s21+$0x2050];
	v23 =	vadd.f32 v33, v57  }
0xec: {  	v20 =	vadd.f32 v26, v20;
	(erf) = vpow2.f32 v18;
	v38 =	vld [tilespmem:s21+$0x2060]  }
0xed: {  	(erf) = vpow2.f32 v17;
	v56 =	vld [tilespmem:s21+$0x4000];
	v17 =	vmul.f32 $1.442695020e+00, v23  }
0xee: {  	v19 =	vadd.f32 v25, v19;
	v20 =	vmul.f32 $1.442695020e+00, v20;
	v58 =	vld [tilespmem:s21+$0x4010]  }
0xef: {  	v60 =	vmul.f32 v31, v8;
	v59 =	vld [tilespmem:s21+$0x4020];
	v33 =	vpop (erf)  }
0xf0: {  	v19 =	vmul.f32 $1.442695020e+00, v19;
	v39 =	vld [tilespmem:s21+$0x4030];
	(erf) = vpow2.f32 v20;
	[tilespmem:s19+$0x6000] =	vst v33;
	v18 =	vpop (erf)  }
0xf1: {  	v62 =	vmul.f32 v34, v8;
	(erf) = vpow2.f32 v17;
	v61 =	vld [tilespmem:s21+$0x4040];
	[tilespmem:s19+$0x6010] =	vst v18;
	v17 =	vpop (erf)  }
0xf2: {  	v40 =	vmul.f32 v36, v8;
	v28 =	vmul.f32 v54, v8;
	v21 =	vadd.f32 v56, v60;
	v63 =	vld [tilespmem:s21+$0x4050];
	[tilespmem:s19+$0x6020] =	vst v17  }
0xf3: {  	v41 =	vmul.f32 v37, v8;
	v22 =	vmul.f32 v55, v8;
	v20 =	vadd.f32 v58, v62;
	v42 =	vld [tilespmem:s21+$0x4060]  }
0xf4: {  	(erf) = vpow2.f32 v19;
	v44 =	vadd.f32 v59, v40;
	v43 =	vmul.f32 $1.442695020e+00, v21  }
0xf5: {  	v45 =	vmul.f32 v38, v8;
	v28 =	vadd.f32 v39, v28;
	v20 =	vmul.f32 $1.442695020e+00, v20  }
0xf6: {  	v21 =	vmul.f32 $1.442695020e+00, v44;
	(erf) = vpow2.f32 v43;
	v23 =	vadd.f32 v61, v41  }
0xf7: {  	v46 =	vmul.f32 $1.442695020e+00, v28;
	(erf) = vpow2.f32 v20;
	v22 =	vadd.f32 v63, v22  }
0xf8: {  	(erf) = vpow2.f32 v21;
	v47 =	vmul.f32 $1.442695020e+00, v23;
	v48 =	vadd.f32 v42, v45  }
0xf9: {  	(erf) = vpow2.f32 v46;
	v49 =	vmul.f32 $1.442695020e+00, v22  }
0xfa: {  	v50 =	vpop (erf);
	v51 =	vmul.f32 $1.442695020e+00, v48;
	(erf) = vpow2.f32 v47  }
0xfb: {  	[tilespmem:s19+$0x6030] =	vst v50;
	v52 =	vpop (erf);
	(erf) = vpow2.f32 v49  }
0xfc: {  	[tilespmem:s19+$0x6040] =	vst v52;
	v53 =	vpop (erf);
	(erf) = vpow2.f32 v51  }
0xfd: {  	[tilespmem:s19+$0x6050] =	vst v53;
	v54 =	vpop (erf)  }
0xfe: {  	v55 =	vpop (erf);
	[tilespmem:s21+$0x6070] =	vst v54  }
0xff: {  	[tilespmem:s19+$0x6060] =	vst v55;
	v56 =	vpop (erf)  }
0x100: {  	[tilespmem:s21+$0x6000] =	vst v56;
	v57 =	vpop (erf)  }
0x101: {  	[tilespmem:s21+$0x6010] =	vst v57;
	v58 =	vpop (erf)  }
0x102: {  	[tilespmem:s21+$0x6020] =	vst v58;
	v59 =	vpop (erf)  }
0x103: {  	[tilespmem:s21+$0x6030] =	vst v59;
	v60 =	vpop (erf)  }
0x104: {  	[tilespmem:s21+$0x6040] =	vst v60;
	v61 =	vpop (erf)  }
0x105: {  	s17 =	smov.u32 @p0 s18;
	[tilespmem:s21+$0x6050] =	vst v61;
	v62 =	vpop (erf)  }
0x106: {  	s18 =	sand.u32 $0xFFFFFFF0, s17;
	[tilespmem:s21+$0x6060] =	vst v62  }
0x107: {  	v63 =	vld [tilespmem:s18+$0x4000];
	_ =	sdelay $0x2  }
0x108: {  	v10 =	vadd.f32 v30, v10;
	v16 =	vadd.f32 v32, v16  }
0x109: {  	v12 =	vadd.f32 v33, v12;
	v13 =	vadd.f32 v18, v13  }
0x10a: {  	v15 =	vadd.f32 v17, v15;
	v8 =	vadd.f32 v63, v8  }
0x10b: {  	v12 =	vadd.f32 v56, v12;
	v13 =	vadd.f32 v57, v13  }
0x10c: {  	v11 =	vadd.f32 v24, v11;
	v10 =	vadd.f32 v50, v10;
	v8 =	vmul.f32 $1.442695020e+00, v8  }
0x10d: {  	v15 =	vadd.f32 v58, v15;
	v12 =	vadd.f32 v13, v12  }
0x10e: {  	v13 =	vadd.f32 v35, v14;
	v14 =	vadd.f32 v52, v16;
	(erf) = vpow2.f32 v8  }
0x10f: {  	v8 =	vadd.f32 v59, v10;
	v10 =	vadd.f32 v15, v12  }
0x110: {  	v12 =	vadd.f32 v53, v13;
	v13 =	vadd.f32 v60, v14  }
0x111: {  	v8 =	vadd.f32 v8, v10;
	v10 =	vadd.f32 v55, v11  }
0x112: {  	v11 =	vadd.f32 v61, v12  }
0x113: {  	v12 =	vld [tilespmem:s18+$0x6000];
	v8 =	vadd.f32 v13, v8;
	v10 =	vadd.f32 v62, v10;
	_ =	sdelay $0x1  }
0x114: {  	s17 =	sand.u32 $0xF, s17;
	v9 =	vadd.f32 v27, v9;
	v8 =	vadd.f32 v11, v8  }
0x115: {  	v11 =	vmov s17  }
0x116: {  	v9 =	vadd.f32 v54, v9;
	vm0 =	veq.s32 v11, v0;
	v8 =	vadd.f32 v10, v8;
	v10 =	vpop (erf)  }
0x117: {  	v10 =	vsel vm0, v10, v12  }
0x118: {  	v8 =	vadd.f32 v9, v8;
	v9 =	vsub.f32 v10, v12;
	_ =	sdelay $0x1  }
0x119: {  	v8 =	vadd.f32 v9, v8;
	_ =	sdelay $0x1  }
0x11a: {  	(v2sf) =	vpush v8, $0x0  }
0x11b: {  	(v2sf) =	vpush v8, $0x1;
	_ =	sdelay $0x1  }
0x11c: {  	(v2sf) =	vpush v8, $0x2;
	_ =	sdelay $0x1  }
0x11d: {  	(v2sf) =	vpush v8, $0x3;
	_ =	sdelay $0x1  }
0x11e: {  	(v2sf) =	vpush v8, $0x4;
	_ =	sdelay $0x1  }
0x11f: {  	(v2sf) =	vpush v8, $0x5;
	_ =	sdelay $0x1  }
0x120: {  	(v2sf) =	vpush v8, $0x6;
	_ =	sdelay $0x1  }
0x121: {  	(v2sf) =	vpush v8, $0x7;
	_ =	sdelay $0x1  }
0x122: {  	s26 =	spop (v2sf);
	(v2sf) =	vpush v8, $0x8  }
0x123: {  	s28 =	spop (v2sf)  }
0x124: {  	(v2sf) =	vpush v8, $0x9;
	s17 =	sadd.f32 s28, s26  }
0x125: {  	s29 =	spop (v2sf)  }
0x126: {  	(v2sf) =	vpush v8, $0xA;
	s17 =	sadd.f32 s17, s29  }
0x127: {  	s30 =	spop (v2sf)  }
0x128: {  	(v2sf) =	vpush v8, $0xB;
	s17 =	sadd.f32 s17, s30  }
0x129: {  	s31 =	spop (v2sf)  }
0x12a: {  	(v2sf) =	vpush v8, $0xC;
	s17 =	sadd.f32 s17, s31  }
0x12b: {  	s20 =	spop (v2sf)  }
0x12c: {  	(v2sf) =	vpush v8, $0xD;
	s17 =	sadd.f32 s17, s20  }
0x12d: {  	s21 =	spop (v2sf)  }
0x12e: {  	(v2sf) =	vpush v8, $0xE;
	s17 =	sadd.f32 s17, s21  }
0x12f: {  	s22 =	spop (v2sf)  }
0x130: {  	(v2sf) =	vpush v8, $0xF;
	s17 =	sadd.f32 s17, s22  }
0x131: {  	s23 =	spop (v2sf)  }
0x132: {  	s17 =	sadd.f32 s17, s23  }
0x133: {  	s24 =	spop (v2sf)  }
0x134: {  	s17 =	sadd.f32 s17, s24  }
0x135: {  	s25 =	spop (v2sf)  }
0x136: {  	s17 =	sadd.f32 s17, s25  }
0x137: {  	s26 =	spop (v2sf)  }
0x138: {  	s17 =	sadd.f32 s17, s26  }
0x139: {  	s28 =	spop (v2sf)  }
0x13a: {  	s17 =	sadd.f32 s17, s28  }
0x13b: {  	s29 =	spop (v2sf)  }
0x13c: {  	s17 =	sadd.f32 s17, s29  }
0x13d: {  	s30 =	spop (v2sf)  }
0x13e: {  	s17 =	sadd.f32 s17, s30  }
0x13f: {  	s31 =	spop (v2sf)  }
0x140: {  	s17 =	sadd.f32 s17, s31;
	_ =	sdelay $0x1  }
0x141: {  	v8 =	vmov s17  }
0x142: {  	v8 =	vadd.f32 $0.0e+00, v8;
	_ =	sdelay $0x1  }
0x143: {  	v8 =	vbroadcast v8, $0x0;
	_ =	sdelay $0x1  }
0x144: {  	(erf) = vrcp.f32 v8;
	_ =	sdelay $0x3  }
0x145: {  	[tilespmem:s18+$0x6000] =	vst v10;
	s17 =	simm.s32 $0x0  }
0x146: {  	v12 =	vld [tilespmem:s17+$0x6000]  }
0x147: {  	v14 =	vld [tilespmem:s17+$0x6010]  }
0x148: {  	v13 =	vld [tilespmem:s17+$0x6020]  }
0x149: {  	v10 =	vld [tilespmem:s17+$0x6030]  }
0x14a: {  	v9 =	vld [tilespmem:s17+$0x6040];
	v8 =	vpop (erf)  }
0x14b: {  	v11 =	vld [tilespmem:s17+$0x6050];
	v15 =	vmul.f32 v12, v8  }
0x14c: {  	s18 =	simm.s32 $0x200;
	v14 =	vmul.f32 v14, v8;
	v12 =	vld [tilespmem:s17+$0x6060]  }
.LBB2_6:
0x14d: {  	s19 =	sshra.s32 s18, $0x2;
	p0 =	sne.s32 s18, $0x7E00;
	[tilespmem:s17+$0x6000] =	vst v15;
	v13 =	vmul.f32 v13, v8;
	v15 =	vld [tilespmem:s17+$0x6070]  }
0x14e: {  	v16 =	vld [tilespmem:s19+$0x6000];
	[tilespmem:s17+$0x6010] =	vst v14;
	v10 =	vmul.f32 v10, v8  }
0x14f: {  	v14 =	vld [tilespmem:s19+$0x6010];
	[tilespmem:s17+$0x6020] =	vst v13;
	v9 =	vmul.f32 v9, v8  }
.Ltmp2:
0x150: {  	v13 =	vld [tilespmem:s19+$0x6020];
	[tilespmem:s17+$0x6030] =	vst v10;
	v11 =	vmul.f32 v11, v8;
	(pc) =	sbr.rel @p0 .LBB2_6-.Ltmp2, $4  }
0x151: {  	v10 =	vld [tilespmem:s19+$0x6030];
	[tilespmem:s17+$0x6040] =	vst v9;
	v12 =	vmul.f32 v12, v8  }
0x152: {  	v9 =	vld [tilespmem:s19+$0x6040];
	[tilespmem:s17+$0x6050] =	vst v11;
	v17 =	vmul.f32 v15, v8  }
0x153: {  	v15 =	vmul.f32 v16, v8;
	v11 =	vld [tilespmem:s19+$0x6050];
	[tilespmem:s17+$0x6060] =	vst v12  }
0x154: {  	s18 =	sadd.s32 $0x200, s18;
	v14 =	vmul.f32 v14, v8;
	v12 =	vld [tilespmem:s19+$0x6060];
	[tilespmem:s17+$0x6070] =	vst v17;
	s17 =	smov.u32 s19  }
0x155: {  	[tilespmem:s17+$0x6000] =	vst v15;
	v13 =	vmul.f32 v13, v8;
	v61 =	vld [tilespmem:s17+$0x6070]  }
0x156: {  	[tilespmem:s17+$0x6010] =	vst v14;
	v10 =	vmul.f32 v10, v8  }
0x157: {  	[tilespmem:s17+$0x6020] =	vst v13;
	v9 =	vmul.f32 v9, v8  }
0x158: {  	[tilespmem:s17+$0x6030] =	vst v10;
	v62 =	vmul.f32 v11, v8  }
0x159: {  	[tilespmem:s17+$0x6040] =	vst v9;
	v63 =	vmul.f32 v12, v8  }
0x15a: {  	s16 =	sadd.s32 $0x1, s16;
	[tilespmem:s17+$0x6050] =	vst v62;
	v8 =	vmul.f32 v61, v8  }
0x15b: {  	p0 =	sne.s32 s16, s7;
	[tilespmem:s17+$0x6060] =	vst v63  }
.Ltmp3:
0x15c: {  	[tilespmem:s17+$0x6070] =	vst v8;
	(pc) =	sbr.rel @p0 .LBB2_1-.Ltmp3, $4  }
0x15d: {  	[hbm4b:s6+s8] =	stream.strided.scatter [tilespmem:s14], [sflag:$0x3], $0x2000, s9, s8, $0x38;
	[tilespmem:$0x8000] =	vst v63  }
0x15e: {  	_ =	swait.ge [sflag:s15], $0x2000  }
0x15f: {  	[sflag:s15] =	ssyncset.done $0x0  }
0x160: {  	[sflag:s15] =	ssyncadd.s32 $0xFFFFE000  }
0x161: {  	_ =	sfence.sel $0x180000  }
0x162: {  	[bflag:$0x0] =	sbarrier.arrive $0xFFFF  }
0x163: {  	p0 =	sne.s32 s1, $0x0;
	_ =	strace $0x90000047  }
0x164: {  	s0 =	sadd.s32 @!p0 $0x100000, s0;
	[bflag:$0x2] =	sbarrier.arrive $0xFFFF  }
0x165: {  	[sflag:s0] =	ssyncadd.tile.s32 @!p0 $0x1;
	_ =	shalt  }
.Lfunc_end2:
_tile_overlayer_lowered:
.L_overlay_start_2:
0x166: {  	(tag) =	ssettag $0x2  }
0x167: {  	s0 =	rddreg [dreg:$0x0];
	s2 =	stileid.u32  }
0x168: {  	s1 =	rddreg [dreg:$0x1];
	p0 =	sne.s32 s2, $0x0  }
0x169: {  	s3 =	rddreg [dreg:$0x2];
	[bflag:$0x3] =	sbarrier.arrive $0xFFFF;
	s2 =	simm.s32 @!p0 $0x1C04  }
0x16a: {  	[timem:s3], [sflag:s2] =	dma.local @!p0 [hbm:s0], s1  }
0x16b: {  	s0 =	simm.s32 @!p0 $0x4  }
0x16c: {  	_ =	swait.ge @!p0 [sflag:s0], s1  }
0x16d: {  	s1 =	ssub.s32 @!p0 $0x0, s1;
	[sflag:s0] =	ssyncset.done @!p0 $0x0  }
0x16e: {  	[sflag:s0] =	ssyncadd.s32 @!p0 s1  }
0x16f: {  	[bflag:$0x3] =	sbarrier.arrive $0xFFFF  }
0x170: {  	_ =	shalt  }

</sc_bundles>
